<compile_context>
chip_gen: v7x
topology: tpu7x:2x2x1
jax: 0.10.2.dev20260603
libtpu: 0.0.44.dev20260713+nightly
codegen_flags: <defaults>
</compile_context>

<pallas_src>
import functools

import jax
import jax.numpy as jnp
from jax import lax
from jax.experimental import pallas as pl
from jax.experimental.pallas import tpu as pltpu
from jax.experimental.pallas import tpu_sc as plsc

B = 64
IN_F = 16384
OUT_F = 16384
LANES = 16
E_CHUNK = 8192
UNROLL = 16

_SELU_SCALE = 1.0507009873554805
_SELU_ALPHA = 1.6732632423543772


def _selu(v):
    return _SELU_SCALE * jnp.where(
        v > 0.0, v, _SELU_ALPHA * (jnp.exp(v) - 1.0))


def _sc_body(feat_hbm, edges_hbm, bias_hbm, out_hbm,
             xp, y0, y1, eb0, eb1, semi, sema, semb):
    nc = 2
    wid = lax.axis_index("s") * nc + lax.axis_index("c")
    b0 = wid * 2
    n_chunks = edges_hbm.shape[0]

    cx = pltpu.async_copy(feat_hbm.at[wid], xp, semi)
    cy0 = pltpu.async_copy(bias_hbm, y0, semi)
    cy1 = pltpu.async_copy(bias_hbm, y1, semi)
    pltpu.async_copy(edges_hbm.at[0], eb0, sema)
    cx.wait()
    cy0.wait()
    cy1.wait()

    lo14 = jnp.full((LANES,), 0x3FFF, jnp.int32)

    def process(ebuf):
        @plsc.parallel_loop(0, E_CHUNK // LANES, unroll=UNROLL)
        def _(i):
            off = i * LANES
            cr = ebuf[0, pl.ds(off, LANES)]
            w = plsc.bitcast(ebuf[1, pl.ds(off, LANES)], jnp.float32)
            c = cr & lo14
            r = lax.shift_right_logical(cr, 14)
            g = plsc.load_gather(xp, [c])
            g0 = plsc.bitcast(g, jnp.float32)
            g1 = plsc.bitcast(g << 16, jnp.float32)
            plsc.addupdate_scatter(y0, [r], g0 * w)
            plsc.addupdate_scatter(y1, [r], g1 * w)

    def pair_body(k, carry):
        c0 = 2 * k
        pltpu.async_copy(edges_hbm.at[c0 + 1], eb1, semb)
        pltpu.make_async_copy(edges_hbm.at[c0], eb0, sema).wait()
        process(eb0)

        @pl.when(c0 + 2 < n_chunks)
        def _():
            pltpu.async_copy(edges_hbm.at[c0 + 2], eb0, sema)

        pltpu.make_async_copy(edges_hbm.at[c0 + 1], eb1, semb).wait()
        process(eb1)
        return carry

    lax.fori_loop(0, n_chunks // 2, pair_body, 0)

    @plsc.parallel_loop(0, OUT_F // LANES, unroll=8)
    def _(i):
        off = i * LANES
        y0[pl.ds(off, LANES)] = _selu(y0[pl.ds(off, LANES)])
        y1[pl.ds(off, LANES)] = _selu(y1[pl.ds(off, LANES)])

    pltpu.sync_copy(y0, out_hbm.at[b0])
    pltpu.sync_copy(y1, out_hbm.at[b0 + 1])


@jax.jit
def _run(features, edges, bias):
    mesh = plsc.VectorSubcoreMesh(core_axis_name="c", subcore_axis_name="s")
    f = functools.partial(
        pl.kernel,
        mesh=mesh,
        out_type=jax.ShapeDtypeStruct((B, OUT_F), jnp.float32),
        compiler_params=pltpu.CompilerParams(needs_layout_passes=False),
        scratch_types=[
            pltpu.VMEM((IN_F,), jnp.int32),
            pltpu.VMEM((OUT_F,), jnp.float32),
            pltpu.VMEM((OUT_F,), jnp.float32),
            pltpu.VMEM((2, E_CHUNK), jnp.int32),
            pltpu.VMEM((2, E_CHUNK), jnp.int32),
            pltpu.SemaphoreType.DMA,
            pltpu.SemaphoreType.DMA,
            pltpu.SemaphoreType.DMA,
        ],
    )(_sc_body)
    return f(features, edges, bias)


def kernel(features, rows, cols, w_vals, bias):
    nnz = rows.shape[0]
    n_chunks = -(-nnz // E_CHUNK)
    n_chunks += n_chunks % 2
    n_pad = n_chunks * E_CHUNK - nnz
    rows_p = jnp.pad(rows.astype(jnp.int32), (0, n_pad))
    cols_p = jnp.pad(cols.astype(jnp.int32), (0, n_pad))
    w_bits = jnp.pad(lax.bitcast_convert_type(w_vals, jnp.int32), (0, n_pad))
    cr = cols_p | (rows_p << 14)
    edges = jnp.stack([cr, w_bits], axis=0)
    edges = edges.reshape(2, n_chunks, E_CHUNK).transpose(1, 0, 2)
    fb = lax.bitcast_convert_type(
        features.astype(jnp.bfloat16), jnp.uint16).astype(jnp.uint32)
    feat_packed = lax.bitcast_convert_type(
        (fb[0::2, :] << 16) | fb[1::2, :], jnp.int32)
    return _run(feat_packed, edges, bias)

# --- scband reference (transcript-rebuilt; emitter-appended) ---
"""Pipeline reference for scband-aeencoder-45011257262636 (READ-ONLY COPY).

The authoritative reference and input builder live on the scoring server;
editing this copy changes nothing except your own understanding.
"""

import jax, jax.numpy as jnp
import numpy as np

B = 64
IN_F = 16384
OUT_F = 16384
NNZ = 268435  # n^2 * density = 16384^2 * 0.001


def setup_inputs(seed: int = 0) -> dict:
    key = jax.random.key(seed)
    k1, k2, k3, k4, k5 = jax.random.split(key, 5)
    features = jax.random.normal(k1, (B, IN_F), dtype=jnp.float32)
    # connectivity: row 0 = output indices, row 1 = input indices (sparselinear convention)
    rows = jax.random.randint(k2, (NNZ,), 0, OUT_F, dtype=jnp.int64) if jax.config.jax_enable_x64 else jax.random.randint(k2, (NNZ,), 0, OUT_F)
    cols = jax.random.randint(k3, (NNZ,), 0, IN_F)
    bound = 1.0 / np.sqrt(IN_F)
    w_vals = jax.random.uniform(k4, (NNZ,), minval=-bound, maxval=bound, dtype=jnp.float32)
    bias = jax.random.uniform(k5, (OUT_F,), minval=-bound, maxval=bound, dtype=jnp.float32)
    return {"features": features, "rows": rows, "cols": cols, "w_vals": w_vals, "bias": bias}


def reference(features, rows, cols, w_vals, bias):
    # Dropout is identity in eval / deterministic reference.
    x = features
    # SparseLinear: y[b, rows[e]] += x[b, cols[e]] * w_vals[e]  (gather -> multiply -> scatter-add)
    gathered = jnp.take(x, cols, axis=1) * w_vals[None, :]
    y = jnp.zeros((x.shape[0], OUT_F), dtype=x.dtype).at[:, rows].add(gathered)
    y = y + bias[None, :]
    # SELU activation
    return jax.nn.selu(y)

if __name__ == "__main__":
    import jax
    _d = setup_inputs()
    print(jax.jit(kernel)(*tuple(_d.values())))

</pallas_src>

<mosaic_0001>
#map = affine_map<(d0, d1) -> (0, 0)>
#map1 = affine_map<(d0, d1) -> (0, 0, 0)>
#map2 = affine_map<(d0, d1) -> (0)>
module attributes {stable_mosaic.version = 14 : i64} {
  func.func @_sc_body(%arg0: i32, %arg1: i32, %arg2: memref<32x16384xi32, #tpu.memory_space<hbm>>, %arg3: memref<34x2x8192xi32, #tpu.memory_space<hbm>>, %arg4: memref<16384xf32, #tpu.memory_space<hbm>>, %arg5: memref<64x16384xf32, #tpu.memory_space<hbm>>, %arg6: memref<16384xi32, #tpu.memory_space<vmem>>, %arg7: memref<16384xf32, #tpu.memory_space<vmem>>, %arg8: memref<16384xf32, #tpu.memory_space<vmem>>, %arg9: memref<2x8192xi32, #tpu.memory_space<vmem>>, %arg10: memref<2x8192xi32, #tpu.memory_space<vmem>>, %arg11: memref<!tpu.dma_semaphore, #tpu.memory_space<semaphore_mem>>, %arg12: memref<!tpu.dma_semaphore, #tpu.memory_space<semaphore_mem>>, %arg13: memref<!tpu.dma_semaphore, #tpu.memory_space<semaphore_mem>>) attributes {dimension_semantics = [#tpu.dimension_semantics<core_parallel>, #tpu.dimension_semantics<subcore_parallel>], iteration_bounds = array<i64: 2, 16>, scalar_prefetch = 0 : i64, scratch_operands = 8 : i64, tpu.core_type = #tpu.core_type<sc_vector_subcore>, window_params = [{transform_indices = #map}, {transform_indices = #map1}, {transform_indices = #map2}, {transform_indices = #map}]} {
    %mul3A = arith.constant 2 : i32
    %mul3A_0 = arith.muli %arg1, %mul3A : i32
    %add3A = arith.addi %mul3A_0, %arg0 : i32
    %mul3A_1 = arith.constant 2 : i32
    %mul3A_2 = arith.muli %add3A, %mul3A_1 : i32
    %dma_start3A = arith.constant 0 : i32
    %dma_start3A_3 = tpu.memref_slice %arg2[%add3A, %dma_start3A] : memref<32x16384xi32, #tpu.memory_space<hbm>> -> memref<1x16384xi32, #tpu.memory_space<hbm>>
    %dma_start3A_4 = tpu.memref_squeeze %dma_start3A_3 : memref<1x16384xi32, #tpu.memory_space<hbm>> -> memref<16384xi32, #tpu.memory_space<hbm>>
    %dma_start3A_5 = arith.constant 0 : i32
    %dma_start3A_6 = tpu.memref_slice %arg2[%add3A, %dma_start3A_5] : memref<32x16384xi32, #tpu.memory_space<hbm>> -> memref<1x16384xi32, #tpu.memory_space<hbm>>
    %dma_start3A_7 = tpu.memref_squeeze %dma_start3A_6 : memref<1x16384xi32, #tpu.memory_space<hbm>> -> memref<16384xi32, #tpu.memory_space<hbm>>
    tpu.enqueue_dma source(%dma_start3A_7 : memref<16384xi32, #tpu.memory_space<hbm>>) target(%arg6 : memref<16384xi32, #tpu.memory_space<vmem>>) target_semaphore(%arg11 : memref<!tpu.dma_semaphore, #tpu.memory_space<semaphore_mem>>)
    tpu.enqueue_dma source(%arg4 : memref<16384xf32, #tpu.memory_space<hbm>>) target(%arg7 : memref<16384xf32, #tpu.memory_space<vmem>>) target_semaphore(%arg11 : memref<!tpu.dma_semaphore, #tpu.memory_space<semaphore_mem>>)
    tpu.enqueue_dma source(%arg4 : memref<16384xf32, #tpu.memory_space<hbm>>) target(%arg8 : memref<16384xf32, #tpu.memory_space<vmem>>) target_semaphore(%arg11 : memref<!tpu.dma_semaphore, #tpu.memory_space<semaphore_mem>>)
    %dma_start3A_8 = arith.constant 0 : i32
    %dma_start3A_9 = arith.constant 0 : i32
    %dma_start3A_10 = arith.constant 0 : i32
    %dma_start3A_11 = tpu.memref_slice %arg3[%dma_start3A_8, %dma_start3A_9, %dma_start3A_10] : memref<34x2x8192xi32, #tpu.memory_space<hbm>> -> memref<1x2x8192xi32, #tpu.memory_space<hbm>>
    %dma_start3A_12 = tpu.memref_squeeze %dma_start3A_11 : memref<1x2x8192xi32, #tpu.memory_space<hbm>> -> memref<2x8192xi32, #tpu.memory_space<hbm>>
    %dma_start3A_13 = arith.constant 0 : i32
    %dma_start3A_14 = arith.constant 0 : i32
    %dma_start3A_15 = tpu.memref_slice %arg3[%dma_start3A_8, %dma_start3A_13, %dma_start3A_14] : memref<34x2x8192xi32, #tpu.memory_space<hbm>> -> memref<1x2x8192xi32, #tpu.memory_space<hbm>>
    %dma_start3A_16 = tpu.memref_squeeze %dma_start3A_15 : memref<1x2x8192xi32, #tpu.memory_space<hbm>> -> memref<2x8192xi32, #tpu.memory_space<hbm>>
    tpu.enqueue_dma source(%dma_start3A_16 : memref<2x8192xi32, #tpu.memory_space<hbm>>) target(%arg9 : memref<2x8192xi32, #tpu.memory_space<vmem>>) target_semaphore(%arg12 : memref<!tpu.dma_semaphore, #tpu.memory_space<semaphore_mem>>)
    %dma_wait3A = arith.constant 0 : i32
    %dma_wait3A_17 = tpu.memref_slice %arg2[%add3A, %dma_wait3A] : memref<32x16384xi32, #tpu.memory_space<hbm>> -> memref<1x16384xi32, #tpu.memory_space<hbm>>
    %dma_wait3A_18 = tpu.memref_squeeze %dma_wait3A_17 : memref<1x16384xi32, #tpu.memory_space<hbm>> -> memref<16384xi32, #tpu.memory_space<hbm>>
    %dma_wait3A_19 = arith.constant 0 : i32
    %dma_wait3A_20 = tpu.memref_slice %arg2[%add3A, %dma_wait3A_19] : memref<32x16384xi32, #tpu.memory_space<hbm>> -> memref<1x16384xi32, #tpu.memory_space<hbm>>
    %dma_wait3A_21 = tpu.memref_squeeze %dma_wait3A_20 : memref<1x16384xi32, #tpu.memory_space<hbm>> -> memref<16384xi32, #tpu.memory_space<hbm>>
    tpu.wait_dma2 semaphore(%arg11 : memref<!tpu.dma_semaphore, #tpu.memory_space<semaphore_mem>>) src(%dma_wait3A_21 : memref<16384xi32, #tpu.memory_space<hbm>>) dst(%arg6 : memref<16384xi32, #tpu.memory_space<vmem>>)
    tpu.wait_dma2 semaphore(%arg11 : memref<!tpu.dma_semaphore, #tpu.memory_space<semaphore_mem>>) src(%arg4 : memref<16384xf32, #tpu.memory_space<hbm>>) dst(%arg7 : memref<16384xf32, #tpu.memory_space<vmem>>)
    tpu.wait_dma2 semaphore(%arg11 : memref<!tpu.dma_semaphore, #tpu.memory_space<semaphore_mem>>) src(%arg4 : memref<16384xf32, #tpu.memory_space<hbm>>) dst(%arg8 : memref<16384xf32, #tpu.memory_space<vmem>>)
    %broadcast_in_dim3A = arith.constant 16383 : i32
    %broadcast_in_dim3A_22 = vector.broadcast %broadcast_in_dim3A : i32 to vector<16xi32>
    %scan3A = arith.constant 0 : i32
    %scan3A_23 = arith.constant 0 : i32
    %scan3A_24 = arith.constant 17 : i32
    %scan3A_25 = arith.addi %scan3A_23, %scan3A_24 : i32
    %scan3A_26 = arith.constant 1 : i32
    scf.for %scan3A_32 = %scan3A_23 to %scan3A_25 step %scan3A_26  : i32 {
      %mul3A_33 = arith.constant 2 : i32
      %mul3A_34 = arith.muli %mul3A_33, %scan3A_32 : i32
      %add3A_35 = arith.constant 1 : i32
      %add3A_36 = arith.addi %mul3A_34, %add3A_35 : i32
      %dma_start3A_37 = arith.constant 0 : i32
      %dma_start3A_38 = arith.constant 0 : i32
      %dma_start3A_39 = tpu.memref_slice %arg3[%add3A_36, %dma_start3A_37, %dma_start3A_38] : memref<34x2x8192xi32, #tpu.memory_space<hbm>> -> memref<1x2x8192xi32, #tpu.memory_space<hbm>>
      %dma_start3A_40 = tpu.memref_squeeze %dma_start3A_39 : memref<1x2x8192xi32, #tpu.memory_space<hbm>> -> memref<2x8192xi32, #tpu.memory_space<hbm>>
      %dma_start3A_41 = arith.constant 0 : i32
      %dma_start3A_42 = arith.constant 0 : i32
      %dma_start3A_43 = tpu.memref_slice %arg3[%add3A_36, %dma_start3A_41, %dma_start3A_42] : memref<34x2x8192xi32, #tpu.memory_space<hbm>> -> memref<1x2x8192xi32, #tpu.memory_space<hbm>>
      %dma_start3A_44 = tpu.memref_squeeze %dma_start3A_43 : memref<1x2x8192xi32, #tpu.memory_space<hbm>> -> memref<2x8192xi32, #tpu.memory_space<hbm>>
      tpu.enqueue_dma source(%dma_start3A_44 : memref<2x8192xi32, #tpu.memory_space<hbm>>) target(%arg10 : memref<2x8192xi32, #tpu.memory_space<vmem>>) target_semaphore(%arg13 : memref<!tpu.dma_semaphore, #tpu.memory_space<semaphore_mem>>)
      %dma_wait3A_45 = arith.constant 0 : i32
      %dma_wait3A_46 = arith.constant 0 : i32
      %dma_wait3A_47 = tpu.memref_slice %arg3[%mul3A_34, %dma_wait3A_45, %dma_wait3A_46] : memref<34x2x8192xi32, #tpu.memory_space<hbm>> -> memref<1x2x8192xi32, #tpu.memory_space<hbm>>
      %dma_wait3A_48 = tpu.memref_squeeze %dma_wait3A_47 : memref<1x2x8192xi32, #tpu.memory_space<hbm>> -> memref<2x8192xi32, #tpu.memory_space<hbm>>
      %dma_wait3A_49 = arith.constant 0 : i32
      %dma_wait3A_50 = arith.constant 0 : i32
      %dma_wait3A_51 = tpu.memref_slice %arg3[%mul3A_34, %dma_wait3A_49, %dma_wait3A_50] : memref<34x2x8192xi32, #tpu.memory_space<hbm>> -> memref<1x2x8192xi32, #tpu.memory_space<hbm>>
      %dma_wait3A_52 = tpu.memref_squeeze %dma_wait3A_51 : memref<1x2x8192xi32, #tpu.memory_space<hbm>> -> memref<2x8192xi32, #tpu.memory_space<hbm>>
      tpu.wait_dma2 semaphore(%arg12 : memref<!tpu.dma_semaphore, #tpu.memory_space<semaphore_mem>>) src(%dma_wait3A_52 : memref<2x8192xi32, #tpu.memory_space<hbm>>) dst(%arg9 : memref<2x8192xi32, #tpu.memory_space<vmem>>)
      %parallel_loop3A_53 = arith.constant 0 : i32
      %parallel_loop3A_54 = arith.constant 512 : i32
      %parallel_loop3A_55 = arith.constant 1 : i32
      scf.for %parallel_loop3A_73 = %parallel_loop3A_53 to %parallel_loop3A_54 step %parallel_loop3A_55  : i32 {
        %parallel_loop3A_74 = arith.constant 16 : i32
        %parallel_loop3A_75 = arith.muli %parallel_loop3A_73, %parallel_loop3A_74 : i32
        %parallel_loop3A_76 = arith.constant 0 : i32
        %parallel_loop3A_77 = arith.index_cast %parallel_loop3A_76 : i32 to index
        %parallel_loop3A_78 = arith.index_cast %parallel_loop3A_75 : i32 to index
        %parallel_loop3A_79 = tpu.vector_load %arg9[%parallel_loop3A_77, %parallel_loop3A_78] {strides = array<i32>} : memref<2x8192xi32, #tpu.memory_space<vmem>>, vector<16xi32>,
        %parallel_loop3A_80 = arith.constant 1 : i32
        %parallel_loop3A_81 = arith.index_cast %parallel_loop3A_80 : i32 to index
        %parallel_loop3A_82 = arith.index_cast %parallel_loop3A_75 : i32 to index
        %parallel_loop3A_83 = tpu.vector_load %arg9[%parallel_loop3A_81, %parallel_loop3A_82] {strides = array<i32>} : memref<2x8192xi32, #tpu.memory_space<vmem>>, vector<16xi32>,
        %parallel_loop3A_84 = vector.bitcast %parallel_loop3A_83 : vector<16xi32> to vector<16xf32>
        %parallel_loop3A_85 = arith.andi %parallel_loop3A_79, %broadcast_in_dim3A_22 : vector<16xi32>
        %parallel_loop3A_86 = arith.constant 14 : i32
        %parallel_loop3A_87 = vector.broadcast %parallel_loop3A_86 : i32 to vector<16xi32>
        %parallel_loop3A_88 = arith.shrui %parallel_loop3A_79, %parallel_loop3A_87 : vector<16xi32>
        %parallel_loop3A_89 = tpu.vector_load_idx %arg6[%parallel_loop3A_85] : memref<16384xi32, #tpu.memory_space<vmem>>[vector<16xi32>], vector<16xi32>,
        %parallel_loop3A_90 = vector.bitcast %parallel_loop3A_89 : vector<16xi32> to vector<16xf32>
        %parallel_loop3A_91 = arith.constant 16 : i32
        %parallel_loop3A_92 = vector.broadcast %parallel_loop3A_91 : i32 to vector<16xi32>
        %parallel_loop3A_93 = arith.shli %parallel_loop3A_89, %parallel_loop3A_92 : vector<16xi32>
        %parallel_loop3A_94 = vector.bitcast %parallel_loop3A_93 : vector<16xi32> to vector<16xf32>
        %parallel_loop3A_95 = arith.mulf %parallel_loop3A_90, %parallel_loop3A_84 : vector<16xf32>
        tpu.vector_store_idx %arg7[%parallel_loop3A_88], %parallel_loop3A_95 {add = true} : memref<16384xf32, #tpu.memory_space<vmem>>[vector<16xi32>], vector<16xf32>,
        %parallel_loop3A_96 = arith.mulf %parallel_loop3A_94, %parallel_loop3A_84 : vector<16xf32>
        tpu.vector_store_idx %arg8[%parallel_loop3A_88], %parallel_loop3A_96 {add = true} : memref<16384xf32, #tpu.memory_space<vmem>>[vector<16xi32>], vector<16xf32>,
      } {sc.loop_unroll_factor = 16 : i64, sc.parallel_access}
      %add3A_56 = arith.constant 2 : i32
      %add3A_57 = arith.addi %mul3A_34, %add3A_56 : i32
      %lt3A = arith.constant 34 : i32
      %lt3A_58 = arith.cmpi slt, %add3A_57, %lt3A : i32
      %convert_element_type3A = arith.extui %lt3A_58 : i1 to i32
      %cond3A = arith.constant 0 : i32
      %cond3A_59 = arith.cmpi ne, %convert_element_type3A, %cond3A : i32
      scf.if %cond3A_59 {
        %add3A_73 = arith.constant 2 : i32
        %add3A_74 = arith.addi %mul3A_34, %add3A_73 : i32
        %dma_start3A_75 = arith.constant 0 : i32
        %dma_start3A_76 = arith.constant 0 : i32
        %dma_start3A_77 = tpu.memref_slice %arg3[%add3A_74, %dma_start3A_75, %dma_start3A_76] : memref<34x2x8192xi32, #tpu.memory_space<hbm>> -> memref<1x2x8192xi32, #tpu.memory_space<hbm>>
        %dma_start3A_78 = tpu.memref_squeeze %dma_start3A_77 : memref<1x2x8192xi32, #tpu.memory_space<hbm>> -> memref<2x8192xi32, #tpu.memory_space<hbm>>
        %dma_start3A_79 = arith.constant 0 : i32
        %dma_start3A_80 = arith.constant 0 : i32
        %dma_start3A_81 = tpu.memref_slice %arg3[%add3A_74, %dma_start3A_79, %dma_start3A_80] : memref<34x2x8192xi32, #tpu.memory_space<hbm>> -> memref<1x2x8192xi32, #tpu.memory_space<hbm>>
        %dma_start3A_82 = tpu.memref_squeeze %dma_start3A_81 : memref<1x2x8192xi32, #tpu.memory_space<hbm>> -> memref<2x8192xi32, #tpu.memory_space<hbm>>
        tpu.enqueue_dma source(%dma_start3A_82 : memref<2x8192xi32, #tpu.memory_space<hbm>>) target(%arg9 : memref<2x8192xi32, #tpu.memory_space<vmem>>) target_semaphore(%arg12 : memref<!tpu.dma_semaphore, #tpu.memory_space<semaphore_mem>>)
      } else {
      }
      %add3A_60 = arith.constant 1 : i32
      %add3A_61 = arith.addi %mul3A_34, %add3A_60 : i32
      %dma_wait3A_62 = arith.constant 0 : i32
      %dma_wait3A_63 = arith.constant 0 : i32
      %dma_wait3A_64 = tpu.memref_slice %arg3[%add3A_61, %dma_wait3A_62, %dma_wait3A_63] : memref<34x2x8192xi32, #tpu.memory_space<hbm>> -> memref<1x2x8192xi32, #tpu.memory_space<hbm>>
      %dma_wait3A_65 = tpu.memref_squeeze %dma_wait3A_64 : memref<1x2x8192xi32, #tpu.memory_space<hbm>> -> memref<2x8192xi32, #tpu.memory_space<hbm>>
      %dma_wait3A_66 = arith.constant 0 : i32
      %dma_wait3A_67 = arith.constant 0 : i32
      %dma_wait3A_68 = tpu.memref_slice %arg3[%add3A_61, %dma_wait3A_66, %dma_wait3A_67] : memref<34x2x8192xi32, #tpu.memory_space<hbm>> -> memref<1x2x8192xi32, #tpu.memory_space<hbm>>
      %dma_wait3A_69 = tpu.memref_squeeze %dma_wait3A_68 : memref<1x2x8192xi32, #tpu.memory_space<hbm>> -> memref<2x8192xi32, #tpu.memory_space<hbm>>
      tpu.wait_dma2 semaphore(%arg13 : memref<!tpu.dma_semaphore, #tpu.memory_space<semaphore_mem>>) src(%dma_wait3A_69 : memref<2x8192xi32, #tpu.memory_space<hbm>>) dst(%arg10 : memref<2x8192xi32, #tpu.memory_space<vmem>>)
      %parallel_loop3A_70 = arith.constant 0 : i32
      %parallel_loop3A_71 = arith.constant 512 : i32
      %parallel_loop3A_72 = arith.constant 1 : i32
      scf.for %parallel_loop3A_73 = %parallel_loop3A_70 to %parallel_loop3A_71 step %parallel_loop3A_72  : i32 {
        %parallel_loop3A_74 = arith.constant 16 : i32
        %parallel_loop3A_75 = arith.muli %parallel_loop3A_73, %parallel_loop3A_74 : i32
        %parallel_loop3A_76 = arith.constant 0 : i32
        %parallel_loop3A_77 = arith.index_cast %parallel_loop3A_76 : i32 to index
        %parallel_loop3A_78 = arith.index_cast %parallel_loop3A_75 : i32 to index
        %parallel_loop3A_79 = tpu.vector_load %arg10[%parallel_loop3A_77, %parallel_loop3A_78] {strides = array<i32>} : memref<2x8192xi32, #tpu.memory_space<vmem>>, vector<16xi32>,
        %parallel_loop3A_80 = arith.constant 1 : i32
        %parallel_loop3A_81 = arith.index_cast %parallel_loop3A_80 : i32 to index
        %parallel_loop3A_82 = arith.index_cast %parallel_loop3A_75 : i32 to index
        %parallel_loop3A_83 = tpu.vector_load %arg10[%parallel_loop3A_81, %parallel_loop3A_82] {strides = array<i32>} : memref<2x8192xi32, #tpu.memory_space<vmem>>, vector<16xi32>,
        %parallel_loop3A_84 = vector.bitcast %parallel_loop3A_83 : vector<16xi32> to vector<16xf32>
        %parallel_loop3A_85 = arith.andi %parallel_loop3A_79, %broadcast_in_dim3A_22 : vector<16xi32>
        %parallel_loop3A_86 = arith.constant 14 : i32
        %parallel_loop3A_87 = vector.broadcast %parallel_loop3A_86 : i32 to vector<16xi32>
        %parallel_loop3A_88 = arith.shrui %parallel_loop3A_79, %parallel_loop3A_87 : vector<16xi32>
        %parallel_loop3A_89 = tpu.vector_load_idx %arg6[%parallel_loop3A_85] : memref<16384xi32, #tpu.memory_space<vmem>>[vector<16xi32>], vector<16xi32>,
        %parallel_loop3A_90 = vector.bitcast %parallel_loop3A_89 : vector<16xi32> to vector<16xf32>
        %parallel_loop3A_91 = arith.constant 16 : i32
        %parallel_loop3A_92 = vector.broadcast %parallel_loop3A_91 : i32 to vector<16xi32>
        %parallel_loop3A_93 = arith.shli %parallel_loop3A_89, %parallel_loop3A_92 : vector<16xi32>
        %parallel_loop3A_94 = vector.bitcast %parallel_loop3A_93 : vector<16xi32> to vector<16xf32>
        %parallel_loop3A_95 = arith.mulf %parallel_loop3A_90, %parallel_loop3A_84 : vector<16xf32>
        tpu.vector_store_idx %arg7[%parallel_loop3A_88], %parallel_loop3A_95 {add = true} : memref<16384xf32, #tpu.memory_space<vmem>>[vector<16xi32>], vector<16xf32>,
        %parallel_loop3A_96 = arith.mulf %parallel_loop3A_94, %parallel_loop3A_84 : vector<16xf32>
        tpu.vector_store_idx %arg8[%parallel_loop3A_88], %parallel_loop3A_96 {add = true} : memref<16384xf32, #tpu.memory_space<vmem>>[vector<16xi32>], vector<16xf32>,
      } {sc.loop_unroll_factor = 16 : i64, sc.parallel_access}
    }
    %scan3A_27 = arith.constant 17 : i32
    %parallel_loop3A = arith.constant 0 : i32
    %parallel_loop3A_28 = arith.constant 1024 : i32
    %parallel_loop3A_29 = arith.constant 1 : i32
    scf.for %parallel_loop3A_32 = %parallel_loop3A to %parallel_loop3A_28 step %parallel_loop3A_29  : i32 {
      %parallel_loop3A_33 = arith.constant 16 : i32
      %parallel_loop3A_34 = arith.muli %parallel_loop3A_32, %parallel_loop3A_33 : i32
      %parallel_loop3A_35 = arith.index_cast %parallel_loop3A_34 : i32 to index
      %parallel_loop3A_36 = tpu.vector_load %arg7[%parallel_loop3A_35] {strides = array<i32>} : memref<16384xf32, #tpu.memory_space<vmem>>, vector<16xf32>,
      %parallel_loop3A_37 = arith.constant 0.000000e+00 : f32
      %parallel_loop3A_38 = vector.broadcast %parallel_loop3A_37 : f32 to vector<16xf32>
      %parallel_loop3A_39 = arith.cmpf ogt, %parallel_loop3A_36, %parallel_loop3A_38 : vector<16xf32>
      %parallel_loop3A_40 = math.exp %parallel_loop3A_36 : vector<16xf32>
      %parallel_loop3A_41 = arith.constant 1.000000e+00 : f32
      %parallel_loop3A_42 = vector.broadcast %parallel_loop3A_41 : f32 to vector<16xf32>
      %parallel_loop3A_43 = arith.subf %parallel_loop3A_40, %parallel_loop3A_42 : vector<16xf32>
      %parallel_loop3A_44 = arith.constant 1.67326319 : f32
      %parallel_loop3A_45 = vector.broadcast %parallel_loop3A_44 : f32 to vector<16xf32>
      %parallel_loop3A_46 = arith.mulf %parallel_loop3A_45, %parallel_loop3A_43 : vector<16xf32>
      %parallel_loop3A_47 = arith.select %parallel_loop3A_39, %parallel_loop3A_36, %parallel_loop3A_46 : vector<16xi1>, vector<16xf32>
      %parallel_loop3A_48 = arith.constant 1.05070102 : f32
      %parallel_loop3A_49 = vector.broadcast %parallel_loop3A_48 : f32 to vector<16xf32>
      %parallel_loop3A_50 = arith.mulf %parallel_loop3A_49, %parallel_loop3A_47 : vector<16xf32>
      %parallel_loop3A_51 = arith.index_cast %parallel_loop3A_34 : i32 to index
      %parallel_loop3A_52 = tpu.vector_load %arg7[%parallel_loop3A_51] {strides = array<i32>} : memref<16384xf32, #tpu.memory_space<vmem>>, vector<16xf32>,
      tpu.vector_store %arg7[%parallel_loop3A_51], %parallel_loop3A_50 {strides = array<i32>} : memref<16384xf32, #tpu.memory_space<vmem>>, vector<16xf32>,
      %parallel_loop3A_53 = arith.index_cast %parallel_loop3A_34 : i32 to index
      %parallel_loop3A_54 = tpu.vector_load %arg8[%parallel_loop3A_53] {strides = array<i32>} : memref<16384xf32, #tpu.memory_space<vmem>>, vector<16xf32>,
      %parallel_loop3A_55 = arith.constant 0.000000e+00 : f32
      %parallel_loop3A_56 = vector.broadcast %parallel_loop3A_55 : f32 to vector<16xf32>
      %parallel_loop3A_57 = arith.cmpf ogt, %parallel_loop3A_54, %parallel_loop3A_56 : vector<16xf32>
      %parallel_loop3A_58 = math.exp %parallel_loop3A_54 : vector<16xf32>
      %parallel_loop3A_59 = arith.constant 1.000000e+00 : f32
      %parallel_loop3A_60 = vector.broadcast %parallel_loop3A_59 : f32 to vector<16xf32>
      %parallel_loop3A_61 = arith.subf %parallel_loop3A_58, %parallel_loop3A_60 : vector<16xf32>
      %parallel_loop3A_62 = arith.constant 1.67326319 : f32
      %parallel_loop3A_63 = vector.broadcast %parallel_loop3A_62 : f32 to vector<16xf32>
      %parallel_loop3A_64 = arith.mulf %parallel_loop3A_63, %parallel_loop3A_61 : vector<16xf32>
      %parallel_loop3A_65 = arith.select %parallel_loop3A_57, %parallel_loop3A_54, %parallel_loop3A_64 : vector<16xi1>, vector<16xf32>
      %parallel_loop3A_66 = arith.constant 1.05070102 : f32
      %parallel_loop3A_67 = vector.broadcast %parallel_loop3A_66 : f32 to vector<16xf32>
      %parallel_loop3A_68 = arith.mulf %parallel_loop3A_67, %parallel_loop3A_65 : vector<16xf32>
      %parallel_loop3A_69 = arith.index_cast %parallel_loop3A_34 : i32 to index
      %parallel_loop3A_70 = tpu.vector_load %arg8[%parallel_loop3A_69] {strides = array<i32>} : memref<16384xf32, #tpu.memory_space<vmem>>, vector<16xf32>,
      tpu.vector_store %arg8[%parallel_loop3A_69], %parallel_loop3A_68 {strides = array<i32>} : memref<16384xf32, #tpu.memory_space<vmem>>, vector<16xf32>,
    } {sc.loop_unroll_factor = 8 : i64, sc.parallel_access}
    "tpu.region"() ({
      %run_scoped3A = tpu.sem_alloc : memref<!tpu.dma_semaphore, #tpu.memory_space<semaphore_mem>>
      %dma_start3A_32 = arith.constant 0 : i32
      %dma_start3A_33 = tpu.memref_slice %arg5[%mul3A_2, %dma_start3A_32] : memref<64x16384xf32, #tpu.memory_space<hbm>> -> memref<1x16384xf32, #tpu.memory_space<hbm>>
      %dma_start3A_34 = tpu.memref_squeeze %dma_start3A_33 : memref<1x16384xf32, #tpu.memory_space<hbm>> -> memref<16384xf32, #tpu.memory_space<hbm>>
      %dma_start3A_35 = arith.constant 0 : i32
      %dma_start3A_36 = tpu.memref_slice %arg5[%mul3A_2, %dma_start3A_35] : memref<64x16384xf32, #tpu.memory_space<hbm>> -> memref<1x16384xf32, #tpu.memory_space<hbm>>
      %dma_start3A_37 = tpu.memref_squeeze %dma_start3A_36 : memref<1x16384xf32, #tpu.memory_space<hbm>> -> memref<16384xf32, #tpu.memory_space<hbm>>
      tpu.enqueue_dma source(%arg7 : memref<16384xf32, #tpu.memory_space<vmem>>) target(%dma_start3A_37 : memref<16384xf32, #tpu.memory_space<hbm>>) target_semaphore(%run_scoped3A : memref<!tpu.dma_semaphore, #tpu.memory_space<semaphore_mem>>)
      %dma_wait3A_38 = arith.constant 0 : i32
      %dma_wait3A_39 = tpu.memref_slice %arg5[%mul3A_2, %dma_wait3A_38] : memref<64x16384xf32, #tpu.memory_space<hbm>> -> memref<1x16384xf32, #tpu.memory_space<hbm>>
      %dma_wait3A_40 = tpu.memref_squeeze %dma_wait3A_39 : memref<1x16384xf32, #tpu.memory_space<hbm>> -> memref<16384xf32, #tpu.memory_space<hbm>>
      %dma_wait3A_41 = arith.constant 0 : i32
      %dma_wait3A_42 = tpu.memref_slice %arg5[%mul3A_2, %dma_wait3A_41] : memref<64x16384xf32, #tpu.memory_space<hbm>> -> memref<1x16384xf32, #tpu.memory_space<hbm>>
      %dma_wait3A_43 = tpu.memref_squeeze %dma_wait3A_42 : memref<1x16384xf32, #tpu.memory_space<hbm>> -> memref<16384xf32, #tpu.memory_space<hbm>>
      tpu.wait_dma2 semaphore(%run_scoped3A : memref<!tpu.dma_semaphore, #tpu.memory_space<semaphore_mem>>) src(%arg7 : memref<16384xf32, #tpu.memory_space<vmem>>) dst(%dma_wait3A_43 : memref<16384xf32, #tpu.memory_space<hbm>>)
      tpu.yield
    }) : () -> ()
    %add3A_30 = arith.constant 1 : i32
    %add3A_31 = arith.addi %mul3A_2, %add3A_30 : i32
    "tpu.region"() ({
      %run_scoped3A = tpu.sem_alloc : memref<!tpu.dma_semaphore, #tpu.memory_space<semaphore_mem>>
      %dma_start3A_32 = arith.constant 0 : i32
      %dma_start3A_33 = tpu.memref_slice %arg5[%add3A_31, %dma_start3A_32] : memref<64x16384xf32, #tpu.memory_space<hbm>> -> memref<1x16384xf32, #tpu.memory_space<hbm>>
      %dma_start3A_34 = tpu.memref_squeeze %dma_start3A_33 : memref<1x16384xf32, #tpu.memory_space<hbm>> -> memref<16384xf32, #tpu.memory_space<hbm>>
      %dma_start3A_35 = arith.constant 0 : i32
      %dma_start3A_36 = tpu.memref_slice %arg5[%add3A_31, %dma_start3A_35] : memref<64x16384xf32, #tpu.memory_space<hbm>> -> memref<1x16384xf32, #tpu.memory_space<hbm>>
      %dma_start3A_37 = tpu.memref_squeeze %dma_start3A_36 : memref<1x16384xf32, #tpu.memory_space<hbm>> -> memref<16384xf32, #tpu.memory_space<hbm>>
      tpu.enqueue_dma source(%arg8 : memref<16384xf32, #tpu.memory_space<vmem>>) target(%dma_start3A_37 : memref<16384xf32, #tpu.memory_space<hbm>>) target_semaphore(%run_scoped3A : memref<!tpu.dma_semaphore, #tpu.memory_space<semaphore_mem>>)
      %dma_wait3A_38 = arith.constant 0 : i32
      %dma_wait3A_39 = tpu.memref_slice %arg5[%add3A_31, %dma_wait3A_38] : memref<64x16384xf32, #tpu.memory_space<hbm>> -> memref<1x16384xf32, #tpu.memory_space<hbm>>
      %dma_wait3A_40 = tpu.memref_squeeze %dma_wait3A_39 : memref<1x16384xf32, #tpu.memory_space<hbm>> -> memref<16384xf32, #tpu.memory_space<hbm>>
      %dma_wait3A_41 = arith.constant 0 : i32
      %dma_wait3A_42 = tpu.memref_slice %arg5[%add3A_31, %dma_wait3A_41] : memref<64x16384xf32, #tpu.memory_space<hbm>> -> memref<1x16384xf32, #tpu.memory_space<hbm>>
      %dma_wait3A_43 = tpu.memref_squeeze %dma_wait3A_42 : memref<1x16384xf32, #tpu.memory_space<hbm>> -> memref<16384xf32, #tpu.memory_space<hbm>>
      tpu.wait_dma2 semaphore(%run_scoped3A : memref<!tpu.dma_semaphore, #tpu.memory_space<semaphore_mem>>) src(%arg8 : memref<16384xf32, #tpu.memory_space<vmem>>) dst(%dma_wait3A_43 : memref<16384xf32, #tpu.memory_space<hbm>>)
      tpu.yield
    }) : () -> ()
    return
  }
}

</mosaic_0001>

<sc_bundles>
// kernel: _run.3.cloned.1.call-start
scs
__scs_entry_jumppad:
0x0: {  	(pc) =	sbr.rel $0x88, $3  }
0x1: {  	(tag) =	ssettag $0x0;
	lr =	simm.s32 $0x1  }
0x2: {  	[smem:$0x3F9E] =	sst lr;
	_ =	strace $0xD0000000  }
0x3: {  	_ = 	snop  }
0x4: {  	_ = 	snop  }
0x5: {  	_ = 	snop  }
0x6: {  	_ = 	snop  }
0x7: {  	_ = 	snop  }
__scs_overlays_trampoline_lowered:
0x8: {  	[smem:$0x3FAD] =	sst s0  }
0x9: {  	[smem:$0x3FAE] =	sst s1  }
0xa: {  	[smem:$0x3FAF] =	sst s2  }
0xb: {  	[smem:$0x3FB0] =	sst s3  }
0xc: {  	[smem:$0x3FB1] =	sst s4  }
0xd: {  	[smem:$0x3FB2] =	sst s5  }
0xe: {  	[smem:$0x3FB3] =	sst s6  }
0xf: {  	[smem:$0x3FB4] =	sst s7  }
0x10: {  	[smem:$0x3FB5] =	sst s8  }
0x11: {  	[smem:$0x3FB6] =	sst s9;
	s0 =	simm.s32 @!p0 $0x0  }
0x12: {  	s1 =	sld [smem:$0x3F9C];
	s0 =	simm.s32 @p0 $0x1  }
0x13: {  	[smem:$0x3FB7] =	sst s0;
	s0 =	simm.s32 @!p1 $0x0  }
0x14: {  	s2 =	sld [smem:$0x3F9B];
	s0 =	simm.s32 @p1 $0x1  }
0x15: {  	[smem:$0x3FB8] =	sst s0;
	s0 =	simm.s32 @!p2 $0x0  }
0x16: {  	s3 =	sld [smem:$0x3FDB];
	s0 =	simm.s32 @p2 $0x1  }
0x17: {  	s4 =	simm.s32 $0x1BF5;
	[smem:$0x3FBA] =	sst s0  }
0x18: {  	s0 =	sld [smem:$0x3F9D];
	_ =	swait.ge [sflag:s4], $0x0  }
0x19: {  	s7 =	sld [smem:$0x3F9E]  }
0x1a: {  	s8 =	sadd.s32 $0xFFFFE003, lr  }
0x1b: {  	s9 =	sadd.s32 $0xFFFFFEF7, lr;
	s5 =	simm.s32 $0xFFFFFFFF;
	p2 =	slt.u32 s8, $0xFFFFF086  }
0x1c: {  	p1 =	slt.u32 s9, $0xF7A;
	s5 =	simm.s32 @!p2 $0x0  }
0x1d: {  	s5 =	simm.s32 @p1 $0x1;
	p0 =	seq.s32 s7, s2  }
0x1e: {  	s7 =	smul.u32 @!p0 $0xF7A, s2;
	p2 =	seq.s32 @!p0 s5, $0x0  }
0x1f: {  	s9 =	smul.u32 $0xF7A, s1;
	s8 =	simm.s32 @!p0 $0x1BF5;
	p2 =	por !p2, p0  }
0x20: {  	[sflag:s8] =	ssyncset.s32 @!p0 $0xFFFFF086;
	s6 =	sadd.s32 @!p0 s3, s7;
	s7 =	simm.s32 @!p0 $0x108  }
0x21: {  	s3 =	sadd.s32 s3, s9;
	s6 =	sadd.s32 @!p0 $0x88, s6;
	s7 =	simm.s32 @p2 $0x1082  }
0x22: {  	[simem:s7], [sflag:s8] =	dma.local @!p0 [hbm:s6], $0xF7A  }
0x23: {  	s9 =	sor.u32 $0xD0000000, s2;
	s6 =	simm.s32 $0x108;
	_ =	swait.ge @!p0 [sflag:s8], $0x0  }
0x24: {  	s3 =	sadd.s32 $0x88, s3;
	s6 =	simm.s32 @!p1 $0x1082;
	[sflag:s4] =	ssyncset.s32 $0xFFFFF086  }
0x25: {  	[simem:s6], [sflag:s4] =	dma.local [hbm:s3], $0xF7A  }
0x26: {  	[smem:$0x3F9E] =	sst s1;
	(tag) =	ssettag s2;
	_ =	strace s9  }
0x27: {  	s1 =	sld [smem:$0x3FAE]  }
0x28: {  	s2 =	sld [smem:$0x3FAF]  }
0x29: {  	s4 =	sld [smem:$0x3FB1]  }
0x2a: {  	p0 =	seq.s32 s5, $0x0;
	s5 =	sld [smem:$0x3FB2]  }
0x2b: {  	s6 =	sld [smem:$0x3FB3]  }
0x2c: {  	s7 =	sld [smem:$0x3FB4]  }
0x2d: {  	s3 =	simm.s32 $0x108;
	s8 =	sld [smem:$0x3FB5]  }
0x2e: {  	s3 =	simm.s32 @!p0 $0x1082;
	s9 =	sld [smem:$0x3FB6]  }
0x2f: {  	lr =	sadd.s32 s0, s3;
	s0 =	sld [smem:$0x3FAD]  }
0x30: {  	s3 =	sld [smem:$0x3FB0]  }
0x31: {  	[smem:$0x3FB9] =	sst s10  }
0x32: {  	s10 =	sld [smem:$0x3FB7];
	_ =	sdelay $0x3  }
0x33: {  	p0 =	seq.s32 s10, $0x1;
	s10 =	sld [smem:$0x3FB9];
	_ =	sdelay $0x3  }
0x34: {  	[smem:$0x3FB9] =	sst s10  }
0x35: {  	s10 =	sld [smem:$0x3FB8];
	_ =	sdelay $0x3  }
0x36: {  	p1 =	seq.s32 s10, $0x1;
	s10 =	sld [smem:$0x3FB9];
	_ =	sdelay $0x3  }
0x37: {  	[smem:$0x3FB9] =	sst s10  }
0x38: {  	s10 =	sld [smem:$0x3FBA]  }
0x39: {  	_ = 	snop;
	(pc) =	sbr.ind lr, $3  }
0x3a: {  	_ = 	snop  }
0x3b: {  	_ = 	snop  }
0x3c: {  	p2 =	seq.s32 s10, $0x1;
	s10 =	sld [smem:$0x3FB9]  }
0x3d: {  	_ =	shalt  }
0x3e: {  	_ =	shalt  }
0x3f: {  	_ =	shalt  }
0x40: {  	_ =	shalt  }
0x41: {  	_ =	shalt  }
0x42: {  	_ =	shalt  }
0x43: {  	_ =	shalt  }
0x44: {  	_ =	shalt  }
0x45: {  	_ =	shalt  }
0x46: {  	_ =	shalt  }
0x47: {  	_ =	shalt  }
0x48: {  	_ =	shalt  }
0x49: {  	_ =	shalt  }
0x4a: {  	_ =	shalt  }
0x4b: {  	_ =	shalt  }
0x4c: {  	_ =	shalt  }
0x4d: {  	_ =	shalt  }
0x4e: {  	_ =	shalt  }
0x4f: {  	_ =	shalt  }
0x50: {  	_ =	shalt  }
0x51: {  	_ =	shalt  }
0x52: {  	_ =	shalt  }
0x53: {  	_ =	shalt  }
0x54: {  	_ =	shalt  }
0x55: {  	_ =	shalt  }
0x56: {  	_ =	shalt  }
0x57: {  	_ =	shalt  }
0x58: {  	_ =	shalt  }
0x59: {  	_ =	shalt  }
0x5a: {  	_ =	shalt  }
0x5b: {  	_ =	shalt  }
0x5c: {  	_ =	shalt  }
0x5d: {  	_ =	shalt  }
0x5e: {  	_ =	shalt  }
0x5f: {  	_ =	shalt  }
0x60: {  	_ =	shalt  }
0x61: {  	_ =	shalt  }
0x62: {  	_ =	shalt  }
0x63: {  	_ =	shalt  }
0x64: {  	_ =	shalt  }
0x65: {  	_ =	shalt  }
0x66: {  	_ =	shalt  }
0x67: {  	_ =	shalt  }
0x68: {  	_ =	shalt  }
0x69: {  	_ =	shalt  }
0x6a: {  	_ =	shalt  }
0x6b: {  	_ =	shalt  }
0x6c: {  	_ =	shalt  }
0x6d: {  	_ =	shalt  }
0x6e: {  	_ =	shalt  }
0x6f: {  	_ =	shalt  }
0x70: {  	_ =	shalt  }
0x71: {  	_ =	shalt  }
0x72: {  	_ =	shalt  }
0x73: {  	_ =	shalt  }
0x74: {  	_ =	shalt  }
0x75: {  	_ =	shalt  }
0x76: {  	_ =	shalt  }
0x77: {  	_ =	shalt  }
0x78: {  	_ =	shalt  }
0x79: {  	_ =	shalt  }
0x7a: {  	_ =	shalt  }
0x7b: {  	_ =	shalt  }
0x7c: {  	_ =	shalt  }
0x7d: {  	_ =	shalt  }
0x7e: {  	_ =	shalt  }
0x7f: {  	_ =	shalt  }
0x80: {  	_ =	shalt  }
0x81: {  	_ =	shalt  }
0x82: {  	_ =	shalt  }
0x83: {  	_ =	shalt  }
0x84: {  	_ =	shalt  }
0x85: {  	_ =	shalt  }
0x86: {  	_ =	shalt  }
0x87: {  	_ =	shalt  }
.Lfunc_end0:
.L_simem_size_0:
called_computation_lowered:
.L_overlay_start_0:
0x88: {  	s2 =	sld [smem:$0x3FD9]  }
0x89: {  	s3 =	sld [smem:$0x3FFE];
	_ =	sdelay $0x1  }
0x8a: {  	s1 =	srdreg.scid  }
0x8b: {  	s0 =	sand.u32 $0x1, s1  }
0x8c: {  	s18 =	sshll.u32 s0, $0xA;
	s2 =	sadd.s32 s3, s2  }
0x8d: {  	s2 =	sadd.s32 s2, s18  }
0x8e: {  	[smem:$0x3FC5] =	sst s2  }
0x8f: {  	_ = 	snop  }
0x90: {  	s2 =	sld [smem:$0x3FC9]  }
0x91: {  	s19 =	sld [smem:$0x3FC8]  }
0x92: {  	s4 =	sld [smem:$0x3FC7]  }
0x93: {  	s5 =	sld [smem:$0x3FD0];
	(tm) =	ssettm $0x1  }
0x94: {  	s6 =	sld [smem:$0x3FFB];
	_ =	sdelay $0x3  }
0x95: {  	_ =	strace s6  }
0x96: {  	s6 =	sld [smem:$0x3FFC];
	_ =	sdelay $0x3  }
0x97: {  	_ =	strace s6  }
0x98: {  	s6 =	sld [smem:$0x3FFD];
	_ =	sdelay $0x3  }
0x99: {  	_ =	strace s6  }
0x9a: {  	_ =	strace $0x8FFFFFFF  }
0x9b: {  	s20 =	sld [smem:$0x3FDB];
	_ =	sdelay $0x1  }
0x9c: {  	s7 =	simm.s32 $_scs_section_size  }
0x9d: {  	s8 =	simm.s32 $_size__tile_overlayer_lowered;
	s9 =	simm.s32 $_tile_overlayer_lowered  }
0x9e: {  	s23 =	simm.s32 $0x1BFF;
	s22 =	sshll.u32 s9, $0x1;
	s6 =	sadd.s32 s7, s20  }
0x9f: {  	s10 =	simm.s32 $0x0;
	s21 =	sshll.u32 s8, $0x1;
	s8 =	sadd.s32 s22, s6  }
0xa0: {  	[timem:s10], [sflag:s23] =	dma.local [hbm:s8], s21  }
0xa1: {  	_ =	swait.ge [sflag:s23], s21  }
0xa2: {  	s7 =	ssub.s32 $0x0, s21;
	[sflag:s23] =	ssyncset.done $0x0  }
0xa3: {  	[sflag:s23] =	ssyncadd.s32 s7;
	_ =	sdelay $0x1  }
0xa4: {  	s24 =	simm.s32 $0x1B8B  }
0xa5: {  	_ =	swait.ge [sflag:s24], $0x1  }
0xa6: {  	[sflag:s24] =	ssyncset.done $0x0  }
0xa7: {  	s25 =	simm.s32 $0x1B8E;
	[sflag:s24] =	ssyncadd.s32 $0xFFFFFFFF  }
0xa8: {  	s26 =	simm.s32 $execute0_lowered;
	[smem:$0x3FD2] =	sst s25  }
0xa9: {  	s7 =	sshll.u32 s26, $0x1;
	_ =	strace $0x80000046;
	[dreg:$0x1] =	wrdreg $0xFFFFFFFF  }
0xaa: {  	s28 =	simm.s32 $_size_execute0_lowered;
	s6 =	sadd.s32 s6, s7;
	[dreg:$0x0] =	wrdreg $0x0  }
0xab: {  	s7 =	sshll.u32 s28, $0x1;
	[dreg:$0x2] =	wrdreg s6  }
0xac: {  	[dreg:$0x3] =	wrdreg s7  }
0xad: {  	[dreg:$0x4] =	wrdreg $0xC0  }
0xae: {  	_ =	task [dreg:s10], $0x5FFFF  }
0xaf: {  	[dreg:$0x1] =	wrdreg $0xFFFFFFFF  }
0xb0: {  	[dreg:$0x0] =	wrdreg $0x60  }
0xb1: {  	[dreg:$0x2] =	wrdreg s2  }
0xb2: {  	[dreg:$0x3] =	wrdreg s19  }
0xb3: {  	[dreg:$0x4] =	wrdreg s4  }
0xb4: {  	[dreg:$0x5] =	wrdreg s5  }
0xb5: {  	[dreg:$0x6] =	wrdreg $0x9  }
0xb6: {  	_ =	task.clear_ibuf [dreg:s10], $0x7FFFF;
	_ =	strace $0x90000046  }
0xb7: {  	s29 =	simm.s32 $0x9;
	_ =	strace $0x80000048  }
0xb8: {  	_ =	swait.ge [sflag:s29], $0x1  }
0xb9: {  	[sflag:s29] =	ssyncadd.s32 $0xFFFFFFFF  }
0xba: {  	_ =	strace $0x90000048  }
0xbb: {  	_ =	sfence  }
0xbc: {  	s30 =	sld [smem:$0x0];
	_ =	sdelay $0x2  }
0xbd: {  	s31 =	sshll.u32 s1, $0xD;
	s1 =	sshrl.u32 s1, $0x2  }
0xbe: {  	s3 =	sand.u32 $0x4000, s31;
	s1 =	sadd.s32 s1, s30  }
0xbf: {  	s0 =	sor.u32 s3, s0;
	s1 =	sshll.u32 s1, $0x11  }
0xc0: {  	s0 =	sor.u32 s1, s0  }
0xc1: {  	s0 =	sadd.s32 $0x8F2B, s0  }
0xc2: {  	[sflag:s0] =	ssyncadd.remote.s32 $0x1  }
0xc3: {  	_ =	sfence.sel $0xFFFF  }
0xc4: {  	[dreg:$0x0] =	wrdreg $0xFFFFFFFF;
	(pc) =	sbr.abs _section_cstart, $3  }
0xc5: {  	[dreg:$0x1] =	wrdreg $0xFFFFFFFF  }
0xc6: {  	_ =	task.clear_ibuf [dreg:s10], $0x2FFFF;
	_ =	strace $0x9FFFFFFF  }
0xc7: {  	(tm) =	ssettm $0x7FFFFFFF  }
tec
execute0_lowered:
.L_overlay_start_1:
0x0: {  	(tag) =	ssettag $0x1  }
0x1: {  	s5 =	rddreg [dreg:$0x0]  }
0x2: {  	s1 =	rddreg [dreg:$0x1]  }
0x3: {  	s2 =	rddreg [dreg:$0x2]  }
0x4: {  	s6 =	rddreg [dreg:$0x3]  }
0x5: {  	s0 =	rddreg [dreg:$0x4];
	s7 =	srdreg.scid  }
0x6: {  	s4 =	simm.s32 $0x0;
	s3 =	stileid.u32;
	s13 =	simm.s32 $0x4000  }
0x7: {  	s14 =	simm.s32 $0x8000;
	s15 =	simm.s32 $0xC000;
	s16 =	simm.s32 $0x1  }
0x8: {  	s17 =	simm.s32 $0x10000;
	s18 =	simm.s32 $0x2;
	s19 =	simm.s32 $0x3  }
0x9: {  	s20 =	simm.s32 $0x4;
	s21 =	simm.s32 $0x0;
	s7 =	sand.u32 $0x1, s7  }
0xa: {  	[smem:$0x7FF] =	sst s4;
	s9 =	sshll.u32 s3, $0x1;
	s11 =	sshll.u32 s3, $0xC  }
0xb: {  	s12 =	sshll.u32 s3, $0xD;
	s8 =	ssub.s32 $0x2, s7;
	_ =	strace $0x80000047  }
0xc: {  	s7 =	sor.u32 s7, s9;
	s11 =	sand.u32 $0xC000, s11;
	s10 =	sshrl.u32 s8, $0x1  }
0xd: {  	s9 =	sshll.u32 s7, $0x5;
	s7 =	sshll.u32 s7, $0x4;
	s5 =	sadd.s32 s5, s11  }
0xe: {  	s11 =	simm.s32 $0x80;
	s9 =	sor.u32 s12, s9;
	s7 =	sand.u32 $0x70, s7  }
0xf: {  	s10 =	ssub.s32 s8, s10;
	s8 =	sadd.s32 $0x1000, s1;
	s9 =	sand.u32 $0x1C060, s9  }
0x10: {  	s12 =	simm.s32 $0x400;
	s5 =	sadd.s32 s7, s5;
	s6 =	sadd.s32 s6, s9  }
0x11: {  	s7 =	sadd.s32 $0x800, s1;
	s10 =	smax.u32 s10, $0x1;
	s9 =	sadd.s32 $0x10, s6  }
.LBB2_1:
0x12: {  	[tilespmem:s4], [sflag:$0x1] =	stream.strided.gather [hbm4b:s5+s11], $0x4000, s12, s11, $0x38;
	[tilespmem:$0x14000] =	vst v63  }
0x13: {  	_ = 	snop  }
0x14: {  	[tilespmem:s13], [sflag:$0x1] =	stream.linear.gather [hbm4b:s2+s4], $0x4000, $0x38;
	[tilespmem:$0x14000] =	vst v63  }
0x15: {  	_ = 	snop  }
0x16: {  	[tilespmem:s14], [sflag:$0x1] =	stream.linear.gather [hbm4b:s2+s4], $0x4000, $0x38;
	[tilespmem:$0x14000] =	vst v63  }
0x17: {  	_ = 	snop  }
0x18: {  	[tilespmem:s15], [sflag:$0x2] =	stream.linear.gather [hbm4b:s1+s4], $0x4000, $0x38;
	[tilespmem:$0x14000] =	vst v63  }
0x19: {  	_ =	swait.ge [sflag:s16], $0x4000  }
0x1a: {  	[sflag:s16] =	ssyncset.done $0x0  }
0x1b: {  	[sflag:s16] =	ssyncadd.s32 $0xFFFFC000  }
0x1c: {  	_ =	swait.ge [sflag:s16], $0x4000  }
0x1d: {  	[sflag:s16] =	ssyncset.done $0x0  }
0x1e: {  	[sflag:s16] =	ssyncadd.s32 $0xFFFFC000  }
0x1f: {  	_ =	swait.ge [sflag:s16], $0x4000  }
0x20: {  	[sflag:s16] =	ssyncset.done $0x0  }
0x21: {  	s22 =	simm.s32 $0x0;
	[sflag:s16] =	ssyncadd.s32 $0xFFFFC000  }
.LBB2_2:
0x22: {  	s23 =	sshll.u32 s22, $0xC  }
0x23: {  	s24 =	sadd.s32 s23, s7  }
0x24: {  	[tilespmem:s17], [sflag:$0x3] =	stream.linear.gather [hbm4b:s24+s4], $0x4000, $0x38;
	[tilespmem:$0x14000] =	vst v63  }
0x25: {  	_ =	swait.ge [sflag:s18], $0x4000  }
0x26: {  	[sflag:s18] =	ssyncset.done $0x0  }
0x27: {  	s24 =	simm.s32 $0xC100;
	[sflag:s18] =	ssyncadd.s32 $0xFFFFC000  }
0x28: {  	v0 =	vld [tilespmem:s24+$0xFFFFFF90]  }
0x29: {  	v1 =	vld [tilespmem:s24+$0x80]  }
0x2a: {  	v3 =	vld [tilespmem:s24+$0xFFFFFFC0]  }
0x2b: {  	v2 =	vld [tilespmem:s24+$0xFFFFFFB0]  }
0x2c: {  	v4 =	vld [tilespmem:s24+$0xFFFFFFA0]  }
0x2d: {  	v5 =	vld [tilespmem:s24+$0x90]  }
0x2e: {  	v6 =	vld [tilespmem:s24+$0xB0]  }
0x2f: {  	v7 =	vld [tilespmem:s24+$0xFFFFFFF0]  }
0x30: {  	v19 =	vld [tilespmem:s24+$0xFFFFFFE0]  }
0x31: {  	v23 =	vld [tilespmem:s24+$0xFFFFFFD0]  }
0x32: {  	v18 =	vld [tilespmem:s24+$0xE0]  }
0x33: {  	v26 =	vld [tilespmem:s24+$0xD0]  }
0x34: {  	v30 =	vld [tilespmem:s24+$0xA0]  }
0x35: {  	v9 =	vld [tilespmem:s24+$0xF0]  }
0x36: {  	v10 =	vld [tilespmem:s24+$0xFFFFFF50]  }
0x37: {  	v11 =	vld [tilespmem:s24+$0xFFFFFF60]  }
0x38: {  	v12 =	vld [tilespmem:s24+$0xFFFFFF70]  }
0x39: {  	v13 =	vld [tilespmem:s24+$0xFFFFFF80]  }
0x3a: {  	v35 =	vld [tilespmem:s24+$0x0]  }
0x3b: {  	v14 =	vld [tilespmem:s24+$0xFFFFFF00]  }
0x3c: {  	v15 =	vld [tilespmem:s24+$0x70]  }
0x3d: {  	v16 =	vld [tilespmem:s24+$0x60]  }
0x3e: {  	v17 =	vld [tilespmem:s24+$0x50]  }
0x3f: {  	v22 =	vld [tilespmem:s24+$0xC0]  }
0x40: {  	v8 =	vld [tilespmem:s24+$0xFFFFFF20]  }
0x41: {  	v21 =	vld [tilespmem:s24+$0x40]  }
0x42: {  	v34 =	vld [tilespmem:s24+$0x30];
	v20 =	vand.u32 $0x3FFF, v14  }
0x43: {  	v27 =	vld [tilespmem:s24+$0x20];
	v24 =	vand.u32 $0x3FFF, v15  }
0x44: {  	v31 =	vld [tilespmem:s24+$0x10];
	v25 =	vand.u32 $0x3FFF, v16  }
0x45: {  	v37 =	vld [tilespmem:s24+$0xFFFFFF30];
	v28 =	vand.u32 $0x3FFF, v17  }
0x46: {  	v39 =	vld [tilespmem:s24+$0xFFFFFF10]  }
0x47: {  	v29 =	vand.u32 $0x3FFF, v21;
	v20 =	vld.idx.msk [tilespmem:v20+s4+$0x0], $0xffff  }
0x48: {  	v42 =	vand.u32 $0x3FFF, v11;
	v24 =	vld.idx.msk [tilespmem:v24+s4+$0x0], $0xffff  }
0x49: {  	v43 =	vand.u32 $0x3FFF, v10;
	v36 =	vld.idx.msk [tilespmem:v25+s4+$0x0], $0xffff  }
0x4a: {  	v25 =	vand.u32 $0x3FFF, v27;
	v33 =	vld.idx.msk [tilespmem:v28+s4+$0x0], $0xffff  }
0x4b: {  	v32 =	vand.u32 $0x3FFF, v34;
	v28 =	vld [tilespmem:s24+$0xFFFFFF40]  }
0x4c: {  	v14 =	vshrl.u32 v14, $0xE;
	v38 =	vld.idx.msk [tilespmem:v29+s4+$0x0], $0xffff  }
0x4d: {  	v15 =	vshrl.u32 v15, $0xE;
	v42 =	vld.idx.msk [tilespmem:v42+s4+$0x0], $0xffff  }
0x4e: {  	v46 =	vshrl.u32 v17, $0xE;
	v43 =	vld.idx.msk [tilespmem:v43+s4+$0x0], $0xffff  }
0x4f: {  	v29 =	vmul.f32 v20, v13;
	v20 =	vshll.u32 v20, $0x10;
	v40 =	vld.idx.msk [tilespmem:v25+s4+$0x0], $0xffff  }
0x50: {  	v57 =	vshrl.u32 v16, $0xE;
	v41 =	vmul.f32 v24, v9;
	v13 =	vmul.f32 v20, v13;
	v20 =	vld.idx.msk [tilespmem:v32+s4+$0x0], $0xffff  }
0x51: {  	v60 =	vmul.f32 v33, v26;
	[tilespmem:v14+s13+$0x0] =	vst.idx.add.f32.msk $0xffff, v29  }
0x52: {  	v24 =	vshll.u32 v24, $0x10;
	v45 =	vshll.u32 v36, $0x10;
	v59 =	vshll.u32 v33, $0x10;
	[tilespmem:v15+s13+$0x0] =	vst.idx.add.f32.msk $0xffff, v41  }
0x53: {  	v36 =	vmul.f32 v36, v18;
	v26 =	vmul.f32 v59, v26;
	v29 =	vand.u32 $0x3FFF, v12;
	[tilespmem:v46+s13+$0x0] =	vst.idx.add.f32.msk $0xffff, v60  }
0x54: {  	[tilespmem:v14+s14+$0x0] =	vst.idx.add.f32.msk $0xffff, v13;
	v13 =	vmul.f32 v24, v9;
	v9 =	vshrl.u32 v21, $0xE;
	v21 =	vand.u32 $0x3FFF, v35  }
0x55: {  	v44 =	vand.u32 $0x3FFF, v37;
	v58 =	vand.u32 $0x3FFF, v8;
	v25 =	vand.u32 $0x3FFF, v31;
	[tilespmem:v57+s13+$0x0] =	vst.idx.add.f32.msk $0xffff, v36  }
0x56: {  	v16 =	vand.u32 $0x3FFF, v39;
	v27 =	vshrl.u32 v27, $0xE;
	v62 =	vshll.u32 v43, $0x10;
	[tilespmem:v46+s14+$0x0] =	vst.idx.add.f32.msk $0xffff, v26  }
0x57: {  	v63 =	vshll.u32 v42, $0x10;
	v61 =	vmul.f32 v45, v18;
	v18 =	vshrl.u32 v35, $0xE;
	[tilespmem:v15+s14+$0x0] =	vst.idx.add.f32.msk $0xffff, v13  }
0x58: {  	v36 =	vmul.f32 v43, v23;
	v14 =	vshrl.u32 v12, $0xE;
	v35 =	vmul.f32 v62, v23;
	v32 =	vld.idx.msk [tilespmem:v29+s4+$0x0], $0xffff  }
0x59: {  	v12 =	vshrl.u32 v28, $0xE;
	v26 =	vmul.f32 v42, v19;
	v23 =	vmul.f32 v63, v19;
	v17 =	vld.idx.msk [tilespmem:v21+s4+$0x0], $0xffff  }
0x5a: {  	v13 =	vshrl.u32 v11, $0xE;
	v24 =	vld.idx.msk [tilespmem:v25+s4+$0x0], $0xffff;
	v25 =	vshrl.u32 v10, $0xE;
	v29 =	vand.u32 $0x3FFF, v28  }
0x5b: {  	v33 =	vld.idx.msk [tilespmem:v58+s4+$0x0], $0xffff;
	v10 =	vshrl.u32 v37, $0xE;
	v15 =	vshll.u32 v38, $0x10;
	v28 =	vmul.f32 v38, v22  }
0x5c: {  	[tilespmem:v57+s14+$0x0] =	vst.idx.add.f32.msk $0xffff, v61;
	v15 =	vmul.f32 v15, v22;
	v21 =	vshrl.u32 v31, $0xE;
	v31 =	vshll.u32 v40, $0x10  }
0x5d: {  	v11 =	vshrl.u32 v39, $0xE;
	[tilespmem:v9+s13+$0x0] =	vst.idx.add.f32.msk $0xffff, v28;
	v28 =	vmul.f32 v40, v30;
	v31 =	vmul.f32 v31, v30  }
0x5e: {  	s25 =	simm.s32 $0x0;
	v22 =	vld.idx.msk [tilespmem:v44+s4+$0x0], $0xffff;
	v30 =	vshrl.u32 v34, $0xE;
	v34 =	vshll.u32 v32, $0x10;
	v19 =	vshll.u32 v17, $0x10  }
.LBB2_3:
0x5f: {  	s25 =	sadd.s32 $0x10, s25;
	v29 =	vld.idx.msk [tilespmem:v29+s4+$0x0], $0xffff;
	s24 =	sadd.s32 $0x200, s24  }
0x60: {  	v32 =	vmul.f32 v32, v7;
	p0 =	slt.u32 s25, $0x1F0;
	[tilespmem:v25+s13+$0x0] =	vst.idx.add.f32.msk $0xffff, v36  }
0x61: {  	[tilespmem:v25+s14+$0x0] =	vst.idx.add.f32.msk $0xffff, v35;
	v25 =	vmul.f32 v20, v6  }
0x62: {  	v7 =	vmul.f32 v34, v7;
	v20 =	vshll.u32 v20, $0x10;
	[tilespmem:v14+s13+$0x0] =	vst.idx.add.f32.msk $0xffff, v32  }
0x63: {  	v32 =	vmul.f32 v24, v5;
	v6 =	vmul.f32 v20, v6;
	[tilespmem:v30+s13+$0x0] =	vst.idx.add.f32.msk $0xffff, v25  }
0x64: {  	[tilespmem:v14+s14+$0x0] =	vst.idx.add.f32.msk $0xffff, v7  }
0x65: {  	v7 =	vmul.f32 v33, v4;
	v14 =	vshll.u32 v29, $0x10;
	[tilespmem:v21+s13+$0x0] =	vst.idx.add.f32.msk $0xffff, v32  }
0x66: {  	[tilespmem:v13+s13+$0x0] =	vst.idx.add.f32.msk $0xffff, v26  }
0x67: {  	v8 =	vshrl.u32 v8, $0xE;
	v20 =	vshll.u32 v33, $0x10;
	[tilespmem:v30+s14+$0x0] =	vst.idx.add.f32.msk $0xffff, v6  }
0x68: {  	v4 =	vmul.f32 v20, v4;
	v20 =	vshll.u32 v24, $0x10;
	v6 =	vmul.f32 v22, v2;
	[tilespmem:v27+s13+$0x0] =	vst.idx.add.f32.msk $0xffff, v28  }
0x69: {  	v5 =	vmul.f32 v20, v5;
	[tilespmem:v13+s14+$0x0] =	vst.idx.add.f32.msk $0xffff, v23  }
0x6a: {  	[tilespmem:v27+s14+$0x0] =	vst.idx.add.f32.msk $0xffff, v31  }
0x6b: {  	[tilespmem:v21+s14+$0x0] =	vst.idx.add.f32.msk $0xffff, v5  }
0x6c: {  	v5 =	vld.idx.msk [tilespmem:v16+s4+$0x0], $0xffff  }
0x6d: {  	[tilespmem:v8+s13+$0x0] =	vst.idx.add.f32.msk $0xffff, v7;
	v7 =	vmul.f32 v29, v3  }
0x6e: {  	v3 =	vmul.f32 v14, v3;
	[tilespmem:v8+s14+$0x0] =	vst.idx.add.f32.msk $0xffff, v4  }
0x6f: {  	[tilespmem:v12+s13+$0x0] =	vst.idx.add.f32.msk $0xffff, v7  }
0x70: {  	[tilespmem:v12+s14+$0x0] =	vst.idx.add.f32.msk $0xffff, v3  }
0x71: {  	v4 =	vmul.f32 v17, v1;
	v3 =	vshll.u32 v22, $0x10;
	[tilespmem:v9+s14+$0x0] =	vst.idx.add.f32.msk $0xffff, v15  }
0x72: {  	v7 =	vshll.u32 v5, $0x10;
	v5 =	vmul.f32 v5, v0;
	v2 =	vmul.f32 v3, v2;
	[tilespmem:v10+s13+$0x0] =	vst.idx.add.f32.msk $0xffff, v6  }
0x73: {  	v1 =	vmul.f32 v19, v1;
	v0 =	vmul.f32 v7, v0;
	[tilespmem:v18+s13+$0x0] =	vst.idx.add.f32.msk $0xffff, v4  }
0x74: {  	[tilespmem:v11+s13+$0x0] =	vst.idx.add.f32.msk $0xffff, v5  }
0x75: {  	[tilespmem:v18+s14+$0x0] =	vst.idx.add.f32.msk $0xffff, v1  }
0x76: {  	[tilespmem:v11+s14+$0x0] =	vst.idx.add.f32.msk $0xffff, v0  }
0x77: {  	[tilespmem:v10+s14+$0x0] =	vst.idx.add.f32.msk $0xffff, v2  }
0x78: {  	v0 =	vld [tilespmem:s24+$0xFFFFFF90]  }
0x79: {  	v1 =	vld [tilespmem:s24+$0x80]  }
0x7a: {  	v3 =	vld [tilespmem:s24+$0xFFFFFFC0]  }
0x7b: {  	v2 =	vld [tilespmem:s24+$0xFFFFFFB0]  }
0x7c: {  	v4 =	vld [tilespmem:s24+$0xFFFFFFA0]  }
0x7d: {  	v5 =	vld [tilespmem:s24+$0x90]  }
0x7e: {  	v6 =	vld [tilespmem:s24+$0xB0]  }
0x7f: {  	v7 =	vld [tilespmem:s24+$0xFFFFFFF0]  }
0x80: {  	v19 =	vld [tilespmem:s24+$0xFFFFFFE0]  }
0x81: {  	v23 =	vld [tilespmem:s24+$0xFFFFFFD0]  }
0x82: {  	v26 =	vld [tilespmem:s24+$0xE0]  }
0x83: {  	v18 =	vld [tilespmem:s24+$0xD0]  }
0x84: {  	v31 =	vld [tilespmem:s24+$0xA0]  }
0x85: {  	v11 =	vld [tilespmem:s24+$0xF0]  }
0x86: {  	v10 =	vld [tilespmem:s24+$0xFFFFFF50]  }
0x87: {  	v12 =	vld [tilespmem:s24+$0xFFFFFF60]  }
0x88: {  	v13 =	vld [tilespmem:s24+$0xFFFFFF70]  }
0x89: {  	v15 =	vld [tilespmem:s24+$0xFFFFFF80]  }
0x8a: {  	v35 =	vld [tilespmem:s24+$0x0]  }
0x8b: {  	v14 =	vld [tilespmem:s24+$0xFFFFFF00]  }
0x8c: {  	v16 =	vld [tilespmem:s24+$0x70]  }
0x8d: {  	v17 =	vld [tilespmem:s24+$0x60]  }
0x8e: {  	v22 =	vld [tilespmem:s24+$0x50]  }
0x8f: {  	v28 =	vld [tilespmem:s24+$0xC0]  }
0x90: {  	v9 =	vand.u32 $0x3FFF, v14;
	v8 =	vld [tilespmem:s24+$0xFFFFFF20]  }
0x91: {  	v20 =	vld [tilespmem:s24+$0x40];
	v21 =	vand.u32 $0x3FFF, v16  }
0x92: {  	v30 =	vld [tilespmem:s24+$0x30];
	v24 =	vand.u32 $0x3FFF, v17  }
0x93: {  	v27 =	vld [tilespmem:s24+$0x20];
	v25 =	vand.u32 $0x3FFF, v22  }
0x94: {  	v32 =	vld [tilespmem:s24+$0x10]  }
0x95: {  	v29 =	vld.idx.msk [tilespmem:v9+s4+$0x0], $0xffff  }
0x96: {  	v33 =	vand.u32 $0x3FFF, v20;
	v21 =	vld.idx.msk [tilespmem:v21+s4+$0x0], $0xffff  }
0x97: {  	v36 =	vld.idx.msk [tilespmem:v24+s4+$0x0], $0xffff  }
0x98: {  	v9 =	vshrl.u32 v20, $0xE;
	v24 =	vand.u32 $0x3FFF, v27;
	v34 =	vld.idx.msk [tilespmem:v25+s4+$0x0], $0xffff  }
0x99: {  	v37 =	vshrl.u32 v14, $0xE;
	v39 =	vshrl.u32 v16, $0xE;
	v20 =	vld [tilespmem:s24+$0xFFFFFF40];
	v38 =	vand.u32 $0x3FFF, v32  }
0x9a: {  	v40 =	vand.u32 $0x3FFF, v35;
	v42 =	vshrl.u32 v17, $0xE;
	v41 =	vand.u32 $0x3FFF, v30;
	v16 =	vld [tilespmem:s24+$0xFFFFFF30]  }
0x9b: {  	v43 =	vand.u32 $0x3FFF, v13;
	v14 =	vshrl.u32 v13, $0xE;
	v17 =	vmul.f32 v29, v15;
	v33 =	vld.idx.msk [tilespmem:v33+s4+$0x0], $0xffff  }
0x9c: {  	v45 =	vand.u32 $0x3FFF, v12;
	v13 =	vshrl.u32 v12, $0xE;
	v29 =	vshll.u32 v29, $0x10;
	v44 =	vld [tilespmem:s24+$0xFFFFFF10]  }
0x9d: {  	v46 =	vand.u32 $0x3FFF, v10;
	v25 =	vshrl.u32 v10, $0xE;
	v47 =	vld.idx.msk [tilespmem:v24+s4+$0x0], $0xffff;
	v24 =	vmul.f32 v21, v11  }
0x9e: {  	v15 =	vmul.f32 v29, v15;
	[tilespmem:v37+s13+$0x0] =	vst.idx.add.f32.msk $0xffff, v17;
	v12 =	vshrl.u32 v20, $0xE;
	v29 =	vand.u32 $0x3FFF, v20  }
0x9f: {  	v10 =	vshrl.u32 v16, $0xE;
	v48 =	vand.u32 $0x3FFF, v16;
	v20 =	vld.idx.msk [tilespmem:v41+s4+$0x0], $0xffff;
	v16 =	vshll.u32 v21, $0x10  }
0xa0: {  	v41 =	vshll.u32 v36, $0x10;
	[tilespmem:v37+s14+$0x0] =	vst.idx.add.f32.msk $0xffff, v15;
	v37 =	vand.u32 $0x3FFF, v8;
	v15 =	vmul.f32 v16, v11  }
0xa1: {  	v11 =	vshrl.u32 v44, $0xE;
	v16 =	vand.u32 $0x3FFF, v44;
	v44 =	vmul.f32 v33, v28;
	[tilespmem:v39+s13+$0x0] =	vst.idx.add.f32.msk $0xffff, v24  }
0xa2: {  	v27 =	vshrl.u32 v27, $0xE;
	v21 =	vshrl.u32 v32, $0xE;
	v17 =	vshll.u32 v33, $0x10;
	[tilespmem:v39+s14+$0x0] =	vst.idx.add.f32.msk $0xffff, v15  }
0xa3: {  	v30 =	vshrl.u32 v30, $0xE;
	v33 =	vshll.u32 v47, $0x10;
	v15 =	vmul.f32 v17, v28;
	v24 =	vld.idx.msk [tilespmem:v38+s4+$0x0], $0xffff  }
0xa4: {  	v28 =	vmul.f32 v47, v31;
	v32 =	vld.idx.msk [tilespmem:v43+s4+$0x0], $0xffff  }
0xa5: {  	v38 =	vld.idx.msk [tilespmem:v45+s4+$0x0], $0xffff  }
0xa6: {  	v43 =	vshrl.u32 v22, $0xE;
	v39 =	vld.idx.msk [tilespmem:v46+s4+$0x0], $0xffff  }
0xa7: {  	v22 =	vshll.u32 v34, $0x10;
	v17 =	vld.idx.msk [tilespmem:v40+s4+$0x0], $0xffff;
	v40 =	vmul.f32 v34, v18  }
0xa8: {  	[tilespmem:v9+s13+$0x0] =	vst.idx.add.f32.msk $0xffff, v44;
	v44 =	vmul.f32 v22, v18  }
0xa9: {  	v41 =	vmul.f32 v41, v26;
	v31 =	vmul.f32 v33, v31;
	v22 =	vld.idx.msk [tilespmem:v48+s4+$0x0], $0xffff  }
.Ltmp0:
0xaa: {  	v18 =	vshrl.u32 v35, $0xE;
	v34 =	vshll.u32 v32, $0x10;
	v33 =	vld.idx.msk [tilespmem:v37+s4+$0x0], $0xffff;
	(pc) =	sbr.rel @p0 .LBB2_3-.Ltmp0, $4  }
0xab: {  	v36 =	vmul.f32 v36, v26;
	[tilespmem:v43+s13+$0x0] =	vst.idx.add.f32.msk $0xffff, v40  }
0xac: {  	v26 =	vshll.u32 v39, $0x10;
	[tilespmem:v43+s14+$0x0] =	vst.idx.add.f32.msk $0xffff, v44  }
0xad: {  	v37 =	vshll.u32 v38, $0x10;
	v35 =	vmul.f32 v26, v23;
	v26 =	vmul.f32 v38, v19;
	[tilespmem:v42+s13+$0x0] =	vst.idx.add.f32.msk $0xffff, v36  }
0xae: {  	v36 =	vmul.f32 v39, v23;
	v23 =	vmul.f32 v37, v19;
	v19 =	vshll.u32 v17, $0x10;
	[tilespmem:v42+s14+$0x0] =	vst.idx.add.f32.msk $0xffff, v41  }
0xaf: {  	_ =	sdelay $0x3  }
0xb0: {  	v29 =	vld.idx.msk [tilespmem:v29+s4+$0x0], $0xffff  }
0xb1: {  	[tilespmem:v13+s13+$0x0] =	vst.idx.add.f32.msk $0xffff, v26  }
0xb2: {  	[tilespmem:v27+s13+$0x0] =	vst.idx.add.f32.msk $0xffff, v28  }
0xb3: {  	[tilespmem:v9+s14+$0x0] =	vst.idx.add.f32.msk $0xffff, v15  }
0xb4: {  	[tilespmem:v25+s13+$0x0] =	vst.idx.add.f32.msk $0xffff, v36  }
0xb5: {  	v32 =	vmul.f32 v32, v7;
	[tilespmem:v13+s14+$0x0] =	vst.idx.add.f32.msk $0xffff, v23  }
0xb6: {  	v7 =	vmul.f32 v34, v7;
	[tilespmem:v25+s14+$0x0] =	vst.idx.add.f32.msk $0xffff, v35  }
0xb7: {  	v25 =	vmul.f32 v20, v6;
	[tilespmem:v14+s13+$0x0] =	vst.idx.add.f32.msk $0xffff, v32;
	v20 =	vshll.u32 v20, $0x10  }
0xb8: {  	[tilespmem:v14+s14+$0x0] =	vst.idx.add.f32.msk $0xffff, v7;
	v6 =	vmul.f32 v20, v6  }
0xb9: {  	v51 =	vmul.f32 v24, v5;
	v7 =	vshll.u32 v24, $0x10;
	[tilespmem:v30+s13+$0x0] =	vst.idx.add.f32.msk $0xffff, v25  }
0xba: {  	v5 =	vmul.f32 v7, v5;
	[tilespmem:v30+s14+$0x0] =	vst.idx.add.f32.msk $0xffff, v6;
	v6 =	vshrl.u32 v8, $0xE  }
0xbb: {  	[tilespmem:v21+s13+$0x0] =	vst.idx.add.f32.msk $0xffff, v51  }
0xbc: {  	[tilespmem:v21+s14+$0x0] =	vst.idx.add.f32.msk $0xffff, v5  }
0xbd: {  	v7 =	vmul.f32 v33, v4;
	v8 =	vshll.u32 v33, $0x10;
	v5 =	vld.idx.msk [tilespmem:v16+s4+$0x0], $0xffff  }
0xbe: {  	[tilespmem:v27+s14+$0x0] =	vst.idx.add.f32.msk $0xffff, v31;
	v4 =	vmul.f32 v8, v4  }
0xbf: {  	v8 =	vshll.u32 v29, $0x10;
	[tilespmem:v6+s13+$0x0] =	vst.idx.add.f32.msk $0xffff, v7;
	v7 =	vmul.f32 v29, v3  }
0xc0: {  	v3 =	vmul.f32 v8, v3;
	[tilespmem:v6+s14+$0x0] =	vst.idx.add.f32.msk $0xffff, v4  }
0xc1: {  	v4 =	vmul.f32 v22, v2;
	[tilespmem:v12+s13+$0x0] =	vst.idx.add.f32.msk $0xffff, v7  }
0xc2: {  	v6 =	vmul.f32 v5, v0;
	[tilespmem:v12+s14+$0x0] =	vst.idx.add.f32.msk $0xffff, v3  }
0xc3: {  	v3 =	vmul.f32 v17, v1;
	[tilespmem:v10+s13+$0x0] =	vst.idx.add.f32.msk $0xffff, v4  }
0xc4: {  	v4 =	vshll.u32 v5, $0x10;
	v1 =	vmul.f32 v19, v1;
	[tilespmem:v11+s13+$0x0] =	vst.idx.add.f32.msk $0xffff, v6  }
0xc5: {  	v0 =	vmul.f32 v4, v0;
	[tilespmem:v18+s13+$0x0] =	vst.idx.add.f32.msk $0xffff, v3;
	v3 =	vshll.u32 v22, $0x10  }
0xc6: {  	v2 =	vmul.f32 v3, v2;
	[tilespmem:v18+s14+$0x0] =	vst.idx.add.f32.msk $0xffff, v1  }
0xc7: {  	p0 =	seq.s32 s22, $0x10;
	[tilespmem:v11+s14+$0x0] =	vst.idx.add.f32.msk $0xffff, v0  }
0xc8: {  	s23 =	sadd.s32 @!p0 s23, s8;
	s24 =	simm.s32 @!p0 $0x0;
	s25 =	simm.s32 @!p0 $0xC000;
	[tilespmem:v10+s14+$0x0] =	vst.idx.add.f32.msk $0xffff, v2  }
0xc9: {  	[tilespmem:s25], [sflag:$0x2] =	stream.linear.gather @!p0 [hbm4b:s23+s24], $0x4000, $0x38;
	[tilespmem:$0x14000] =	vst v63  }
0xca: {  	_ =	swait.ge [sflag:s19], $0x4000  }
0xcb: {  	[sflag:s19] =	ssyncset.done $0x0  }
0xcc: {  	s23 =	simm.s32 $0x10100;
	[sflag:s19] =	ssyncadd.s32 $0xFFFFC000  }
0xcd: {  	v0 =	vld [tilespmem:s23+$0xFFFFFF90]  }
0xce: {  	v1 =	vld [tilespmem:s23+$0x80]  }
0xcf: {  	v3 =	vld [tilespmem:s23+$0xFFFFFFC0]  }
0xd0: {  	v2 =	vld [tilespmem:s23+$0xFFFFFFB0]  }
0xd1: {  	v4 =	vld [tilespmem:s23+$0xFFFFFFA0]  }
0xd2: {  	v5 =	vld [tilespmem:s23+$0x90]  }
0xd3: {  	v6 =	vld [tilespmem:s23+$0xB0]  }
0xd4: {  	v7 =	vld [tilespmem:s23+$0xFFFFFFF0]  }
0xd5: {  	v19 =	vld [tilespmem:s23+$0xFFFFFFE0]  }
0xd6: {  	v23 =	vld [tilespmem:s23+$0xFFFFFFD0]  }
0xd7: {  	v18 =	vld [tilespmem:s23+$0xE0]  }
0xd8: {  	v26 =	vld [tilespmem:s23+$0xD0]  }
0xd9: {  	v30 =	vld [tilespmem:s23+$0xA0]  }
0xda: {  	v9 =	vld [tilespmem:s23+$0xF0]  }
0xdb: {  	v10 =	vld [tilespmem:s23+$0xFFFFFF50]  }
0xdc: {  	v11 =	vld [tilespmem:s23+$0xFFFFFF60]  }
0xdd: {  	v12 =	vld [tilespmem:s23+$0xFFFFFF70]  }
0xde: {  	v13 =	vld [tilespmem:s23+$0xFFFFFF80]  }
0xdf: {  	v52 =	vld [tilespmem:s23+$0x0]  }
0xe0: {  	v14 =	vld [tilespmem:s23+$0xFFFFFF00]  }
0xe1: {  	v15 =	vld [tilespmem:s23+$0x70]  }
0xe2: {  	v16 =	vld [tilespmem:s23+$0x60]  }
0xe3: {  	v17 =	vld [tilespmem:s23+$0x50]  }
0xe4: {  	v22 =	vld [tilespmem:s23+$0xC0]  }
0xe5: {  	v8 =	vld [tilespmem:s23+$0xFFFFFF20]  }
0xe6: {  	v21 =	vld [tilespmem:s23+$0x40]  }
0xe7: {  	v53 =	vld [tilespmem:s23+$0x30];
	v20 =	vand.u32 $0x3FFF, v14  }
0xe8: {  	v27 =	vld [tilespmem:s23+$0x20];
	v24 =	vand.u32 $0x3FFF, v15  }
0xe9: {  	v31 =	vld [tilespmem:s23+$0x10];
	v25 =	vand.u32 $0x3FFF, v16  }
0xea: {  	v37 =	vld [tilespmem:s23+$0xFFFFFF30];
	v28 =	vand.u32 $0x3FFF, v17  }
0xeb: {  	v39 =	vld [tilespmem:s23+$0xFFFFFF10]  }
0xec: {  	v29 =	vand.u32 $0x3FFF, v21;
	v20 =	vld.idx.msk [tilespmem:v20+s4+$0x0], $0xffff  }
0xed: {  	v42 =	vand.u32 $0x3FFF, v11;
	v24 =	vld.idx.msk [tilespmem:v24+s4+$0x0], $0xffff  }
0xee: {  	v43 =	vand.u32 $0x3FFF, v10;
	v54 =	vld.idx.msk [tilespmem:v25+s4+$0x0], $0xffff  }
0xef: {  	v58 =	vand.u32 $0x3FFF, v8;
	v55 =	vld.idx.msk [tilespmem:v28+s4+$0x0], $0xffff  }
0xf0: {  	v25 =	vand.u32 $0x3FFF, v27;
	v28 =	vld [tilespmem:s23+$0xFFFFFF40]  }
0xf1: {  	v14 =	vshrl.u32 v14, $0xE;
	v38 =	vld.idx.msk [tilespmem:v29+s4+$0x0], $0xffff  }
0xf2: {  	v15 =	vshrl.u32 v15, $0xE;
	v42 =	vld.idx.msk [tilespmem:v42+s4+$0x0], $0xffff  }
0xf3: {  	v46 =	vshrl.u32 v17, $0xE;
	v43 =	vld.idx.msk [tilespmem:v43+s4+$0x0], $0xffff  }
0xf4: {  	v33 =	vld.idx.msk [tilespmem:v58+s4+$0x0], $0xffff;
	v29 =	vmul.f32 v20, v13  }
0xf5: {  	v57 =	vshrl.u32 v16, $0xE;
	v40 =	vld.idx.msk [tilespmem:v25+s4+$0x0], $0xffff;
	v41 =	vmul.f32 v24, v9  }
0xf6: {  	v56 =	vand.u32 $0x3FFF, v53;
	v20 =	vshll.u32 v20, $0x10;
	v60 =	vmul.f32 v55, v26;
	[tilespmem:v14+s13+$0x0] =	vst.idx.add.f32.msk $0xffff, v29  }
0xf7: {  	v24 =	vshll.u32 v24, $0x10;
	v59 =	vshll.u32 v55, $0x10;
	v13 =	vmul.f32 v20, v13;
	[tilespmem:v15+s13+$0x0] =	vst.idx.add.f32.msk $0xffff, v41  }
0xf8: {  	v36 =	vmul.f32 v54, v18;
	v26 =	vmul.f32 v59, v26;
	v29 =	vand.u32 $0x3FFF, v12;
	[tilespmem:v46+s13+$0x0] =	vst.idx.add.f32.msk $0xffff, v60  }
0xf9: {  	[tilespmem:v14+s14+$0x0] =	vst.idx.add.f32.msk $0xffff, v13;
	v13 =	vmul.f32 v24, v9;
	v9 =	vshrl.u32 v21, $0xE;
	v21 =	vand.u32 $0x3FFF, v52  }
0xfa: {  	v44 =	vand.u32 $0x3FFF, v37;
	v16 =	vand.u32 $0x3FFF, v39;
	v25 =	vand.u32 $0x3FFF, v31;
	[tilespmem:v57+s13+$0x0] =	vst.idx.add.f32.msk $0xffff, v36  }
0xfb: {  	v27 =	vshrl.u32 v27, $0xE;
	v45 =	vshll.u32 v54, $0x10;
	v62 =	vshll.u32 v43, $0x10;
	[tilespmem:v46+s14+$0x0] =	vst.idx.add.f32.msk $0xffff, v26  }
0xfc: {  	v63 =	vshll.u32 v42, $0x10;
	v61 =	vmul.f32 v45, v18;
	v35 =	vmul.f32 v62, v23;
	[tilespmem:v15+s14+$0x0] =	vst.idx.add.f32.msk $0xffff, v13  }
0xfd: {  	v18 =	vshrl.u32 v52, $0xE;
	v36 =	vmul.f32 v43, v23;
	v23 =	vmul.f32 v63, v19;
	v32 =	vld.idx.msk [tilespmem:v29+s4+$0x0], $0xffff  }
0xfe: {  	v14 =	vshrl.u32 v12, $0xE;
	v12 =	vshrl.u32 v28, $0xE;
	v26 =	vmul.f32 v42, v19;
	v17 =	vld.idx.msk [tilespmem:v21+s4+$0x0], $0xffff  }
0xff: {  	v13 =	vshrl.u32 v11, $0xE;
	v24 =	vld.idx.msk [tilespmem:v25+s4+$0x0], $0xffff;
	v25 =	vshrl.u32 v10, $0xE;
	v29 =	vand.u32 $0x3FFF, v28  }
0x100: {  	v20 =	vld.idx.msk [tilespmem:v56+s4+$0x0], $0xffff;
	v10 =	vshrl.u32 v37, $0xE;
	v15 =	vshll.u32 v38, $0x10;
	v28 =	vmul.f32 v38, v22  }
0x101: {  	[tilespmem:v57+s14+$0x0] =	vst.idx.add.f32.msk $0xffff, v61;
	v15 =	vmul.f32 v15, v22;
	v21 =	vshrl.u32 v31, $0xE;
	v31 =	vshll.u32 v40, $0x10  }
0x102: {  	v11 =	vshrl.u32 v39, $0xE;
	[tilespmem:v9+s13+$0x0] =	vst.idx.add.f32.msk $0xffff, v28;
	v28 =	vmul.f32 v40, v30;
	v31 =	vmul.f32 v31, v30  }
0x103: {  	s24 =	simm.s32 $0x0;
	v22 =	vld.idx.msk [tilespmem:v44+s4+$0x0], $0xffff;
	v30 =	vshrl.u32 v53, $0xE;
	v34 =	vshll.u32 v32, $0x10;
	v19 =	vshll.u32 v17, $0x10  }
.LBB2_5:
0x104: {  	s24 =	sadd.s32 $0x10, s24;
	v29 =	vld.idx.msk [tilespmem:v29+s4+$0x0], $0xffff;
	s23 =	sadd.s32 $0x200, s23  }
0x105: {  	v32 =	vmul.f32 v32, v7;
	p0 =	slt.u32 s24, $0x1F0;
	[tilespmem:v25+s13+$0x0] =	vst.idx.add.f32.msk $0xffff, v36  }
0x106: {  	[tilespmem:v25+s14+$0x0] =	vst.idx.add.f32.msk $0xffff, v35;
	v25 =	vmul.f32 v20, v6  }
0x107: {  	v7 =	vmul.f32 v34, v7;
	v20 =	vshll.u32 v20, $0x10;
	[tilespmem:v14+s13+$0x0] =	vst.idx.add.f32.msk $0xffff, v32  }
0x108: {  	v32 =	vmul.f32 v24, v5;
	v6 =	vmul.f32 v20, v6;
	[tilespmem:v30+s13+$0x0] =	vst.idx.add.f32.msk $0xffff, v25  }
0x109: {  	[tilespmem:v14+s14+$0x0] =	vst.idx.add.f32.msk $0xffff, v7  }
0x10a: {  	v7 =	vmul.f32 v33, v4;
	v14 =	vshll.u32 v29, $0x10;
	[tilespmem:v21+s13+$0x0] =	vst.idx.add.f32.msk $0xffff, v32  }
0x10b: {  	[tilespmem:v13+s13+$0x0] =	vst.idx.add.f32.msk $0xffff, v26  }
0x10c: {  	v8 =	vshrl.u32 v8, $0xE;
	v20 =	vshll.u32 v33, $0x10;
	[tilespmem:v30+s14+$0x0] =	vst.idx.add.f32.msk $0xffff, v6  }
0x10d: {  	v4 =	vmul.f32 v20, v4;
	v20 =	vshll.u32 v24, $0x10;
	v6 =	vmul.f32 v22, v2;
	[tilespmem:v27+s13+$0x0] =	vst.idx.add.f32.msk $0xffff, v28  }
0x10e: {  	v5 =	vmul.f32 v20, v5;
	[tilespmem:v13+s14+$0x0] =	vst.idx.add.f32.msk $0xffff, v23  }
0x10f: {  	[tilespmem:v27+s14+$0x0] =	vst.idx.add.f32.msk $0xffff, v31  }
0x110: {  	[tilespmem:v21+s14+$0x0] =	vst.idx.add.f32.msk $0xffff, v5  }
0x111: {  	v5 =	vld.idx.msk [tilespmem:v16+s4+$0x0], $0xffff  }
0x112: {  	[tilespmem:v8+s13+$0x0] =	vst.idx.add.f32.msk $0xffff, v7;
	v7 =	vmul.f32 v29, v3  }
0x113: {  	v3 =	vmul.f32 v14, v3;
	[tilespmem:v8+s14+$0x0] =	vst.idx.add.f32.msk $0xffff, v4  }
0x114: {  	[tilespmem:v12+s13+$0x0] =	vst.idx.add.f32.msk $0xffff, v7  }
0x115: {  	[tilespmem:v12+s14+$0x0] =	vst.idx.add.f32.msk $0xffff, v3  }
0x116: {  	v4 =	vmul.f32 v17, v1;
	v3 =	vshll.u32 v22, $0x10;
	[tilespmem:v9+s14+$0x0] =	vst.idx.add.f32.msk $0xffff, v15  }
0x117: {  	v7 =	vshll.u32 v5, $0x10;
	v5 =	vmul.f32 v5, v0;
	v2 =	vmul.f32 v3, v2;
	[tilespmem:v10+s13+$0x0] =	vst.idx.add.f32.msk $0xffff, v6  }
0x118: {  	v1 =	vmul.f32 v19, v1;
	v0 =	vmul.f32 v7, v0;
	[tilespmem:v18+s13+$0x0] =	vst.idx.add.f32.msk $0xffff, v4  }
0x119: {  	[tilespmem:v11+s13+$0x0] =	vst.idx.add.f32.msk $0xffff, v5  }
0x11a: {  	[tilespmem:v18+s14+$0x0] =	vst.idx.add.f32.msk $0xffff, v1  }
0x11b: {  	[tilespmem:v11+s14+$0x0] =	vst.idx.add.f32.msk $0xffff, v0  }
0x11c: {  	[tilespmem:v10+s14+$0x0] =	vst.idx.add.f32.msk $0xffff, v2  }
0x11d: {  	v0 =	vld [tilespmem:s23+$0xFFFFFF90]  }
0x11e: {  	v1 =	vld [tilespmem:s23+$0x80]  }
0x11f: {  	v3 =	vld [tilespmem:s23+$0xFFFFFFC0]  }
0x120: {  	v2 =	vld [tilespmem:s23+$0xFFFFFFB0]  }
0x121: {  	v4 =	vld [tilespmem:s23+$0xFFFFFFA0]  }
0x122: {  	v5 =	vld [tilespmem:s23+$0x90]  }
0x123: {  	v6 =	vld [tilespmem:s23+$0xB0]  }
0x124: {  	v7 =	vld [tilespmem:s23+$0xFFFFFFF0]  }
0x125: {  	v19 =	vld [tilespmem:s23+$0xFFFFFFE0]  }
0x126: {  	v23 =	vld [tilespmem:s23+$0xFFFFFFD0]  }
0x127: {  	v26 =	vld [tilespmem:s23+$0xE0]  }
0x128: {  	v18 =	vld [tilespmem:s23+$0xD0]  }
0x129: {  	v31 =	vld [tilespmem:s23+$0xA0]  }
0x12a: {  	v11 =	vld [tilespmem:s23+$0xF0]  }
0x12b: {  	v10 =	vld [tilespmem:s23+$0xFFFFFF50]  }
0x12c: {  	v12 =	vld [tilespmem:s23+$0xFFFFFF60]  }
0x12d: {  	v13 =	vld [tilespmem:s23+$0xFFFFFF70]  }
0x12e: {  	v15 =	vld [tilespmem:s23+$0xFFFFFF80]  }
0x12f: {  	v35 =	vld [tilespmem:s23+$0x0]  }
0x130: {  	v14 =	vld [tilespmem:s23+$0xFFFFFF00]  }
0x131: {  	v16 =	vld [tilespmem:s23+$0x70]  }
0x132: {  	v17 =	vld [tilespmem:s23+$0x60]  }
0x133: {  	v22 =	vld [tilespmem:s23+$0x50]  }
0x134: {  	v28 =	vld [tilespmem:s23+$0xC0]  }
0x135: {  	v9 =	vand.u32 $0x3FFF, v14;
	v8 =	vld [tilespmem:s23+$0xFFFFFF20]  }
0x136: {  	v20 =	vld [tilespmem:s23+$0x40];
	v21 =	vand.u32 $0x3FFF, v16  }
0x137: {  	v30 =	vld [tilespmem:s23+$0x30];
	v24 =	vand.u32 $0x3FFF, v17  }
0x138: {  	v27 =	vld [tilespmem:s23+$0x20];
	v25 =	vand.u32 $0x3FFF, v22  }
0x139: {  	v32 =	vld [tilespmem:s23+$0x10]  }
0x13a: {  	v29 =	vld.idx.msk [tilespmem:v9+s4+$0x0], $0xffff  }
0x13b: {  	v33 =	vand.u32 $0x3FFF, v20;
	v21 =	vld.idx.msk [tilespmem:v21+s4+$0x0], $0xffff  }
0x13c: {  	v36 =	vld.idx.msk [tilespmem:v24+s4+$0x0], $0xffff  }
0x13d: {  	v9 =	vshrl.u32 v20, $0xE;
	v24 =	vand.u32 $0x3FFF, v27;
	v34 =	vld.idx.msk [tilespmem:v25+s4+$0x0], $0xffff  }
0x13e: {  	v37 =	vshrl.u32 v14, $0xE;
	v39 =	vshrl.u32 v16, $0xE;
	v20 =	vld [tilespmem:s23+$0xFFFFFF40];
	v38 =	vand.u32 $0x3FFF, v32  }
0x13f: {  	v40 =	vand.u32 $0x3FFF, v35;
	v42 =	vshrl.u32 v17, $0xE;
	v41 =	vand.u32 $0x3FFF, v30;
	v16 =	vld [tilespmem:s23+$0xFFFFFF30]  }
0x140: {  	v43 =	vand.u32 $0x3FFF, v13;
	v14 =	vshrl.u32 v13, $0xE;
	v17 =	vmul.f32 v29, v15;
	v33 =	vld.idx.msk [tilespmem:v33+s4+$0x0], $0xffff  }
0x141: {  	v45 =	vand.u32 $0x3FFF, v12;
	v13 =	vshrl.u32 v12, $0xE;
	v29 =	vshll.u32 v29, $0x10;
	v44 =	vld [tilespmem:s23+$0xFFFFFF10]  }
0x142: {  	v46 =	vand.u32 $0x3FFF, v10;
	v25 =	vshrl.u32 v10, $0xE;
	v47 =	vld.idx.msk [tilespmem:v24+s4+$0x0], $0xffff;
	v24 =	vmul.f32 v21, v11  }
0x143: {  	v15 =	vmul.f32 v29, v15;
	[tilespmem:v37+s13+$0x0] =	vst.idx.add.f32.msk $0xffff, v17;
	v12 =	vshrl.u32 v20, $0xE;
	v29 =	vand.u32 $0x3FFF, v20  }
0x144: {  	v10 =	vshrl.u32 v16, $0xE;
	v48 =	vand.u32 $0x3FFF, v16;
	v20 =	vld.idx.msk [tilespmem:v41+s4+$0x0], $0xffff;
	v16 =	vshll.u32 v21, $0x10  }
0x145: {  	v41 =	vshll.u32 v36, $0x10;
	[tilespmem:v37+s14+$0x0] =	vst.idx.add.f32.msk $0xffff, v15;
	v37 =	vand.u32 $0x3FFF, v8;
	v15 =	vmul.f32 v16, v11  }
0x146: {  	v11 =	vshrl.u32 v44, $0xE;
	v16 =	vand.u32 $0x3FFF, v44;
	v44 =	vmul.f32 v33, v28;
	[tilespmem:v39+s13+$0x0] =	vst.idx.add.f32.msk $0xffff, v24  }
0x147: {  	v27 =	vshrl.u32 v27, $0xE;
	v21 =	vshrl.u32 v32, $0xE;
	v17 =	vshll.u32 v33, $0x10;
	[tilespmem:v39+s14+$0x0] =	vst.idx.add.f32.msk $0xffff, v15  }
0x148: {  	v30 =	vshrl.u32 v30, $0xE;
	v33 =	vshll.u32 v47, $0x10;
	v15 =	vmul.f32 v17, v28;
	v24 =	vld.idx.msk [tilespmem:v38+s4+$0x0], $0xffff  }
0x149: {  	v28 =	vmul.f32 v47, v31;
	v32 =	vld.idx.msk [tilespmem:v43+s4+$0x0], $0xffff  }
0x14a: {  	v38 =	vld.idx.msk [tilespmem:v45+s4+$0x0], $0xffff  }
0x14b: {  	v43 =	vshrl.u32 v22, $0xE;
	v39 =	vld.idx.msk [tilespmem:v46+s4+$0x0], $0xffff  }
0x14c: {  	v22 =	vshll.u32 v34, $0x10;
	v17 =	vld.idx.msk [tilespmem:v40+s4+$0x0], $0xffff;
	v40 =	vmul.f32 v34, v18  }
0x14d: {  	[tilespmem:v9+s13+$0x0] =	vst.idx.add.f32.msk $0xffff, v44;
	v44 =	vmul.f32 v22, v18  }
0x14e: {  	v41 =	vmul.f32 v41, v26;
	v31 =	vmul.f32 v33, v31;
	v22 =	vld.idx.msk [tilespmem:v48+s4+$0x0], $0xffff  }
.Ltmp1:
0x14f: {  	v18 =	vshrl.u32 v35, $0xE;
	v34 =	vshll.u32 v32, $0x10;
	v33 =	vld.idx.msk [tilespmem:v37+s4+$0x0], $0xffff;
	(pc) =	sbr.rel @p0 .LBB2_5-.Ltmp1, $4  }
0x150: {  	v36 =	vmul.f32 v36, v26;
	[tilespmem:v43+s13+$0x0] =	vst.idx.add.f32.msk $0xffff, v40  }
0x151: {  	v26 =	vshll.u32 v39, $0x10;
	[tilespmem:v43+s14+$0x0] =	vst.idx.add.f32.msk $0xffff, v44  }
0x152: {  	v37 =	vshll.u32 v38, $0x10;
	v35 =	vmul.f32 v26, v23;
	v26 =	vmul.f32 v38, v19;
	[tilespmem:v42+s13+$0x0] =	vst.idx.add.f32.msk $0xffff, v36  }
0x153: {  	v36 =	vmul.f32 v39, v23;
	v23 =	vmul.f32 v37, v19;
	v19 =	vshll.u32 v17, $0x10;
	[tilespmem:v42+s14+$0x0] =	vst.idx.add.f32.msk $0xffff, v41  }
0x154: {  	_ =	sdelay $0x3  }
0x155: {  	v29 =	vld.idx.msk [tilespmem:v29+s4+$0x0], $0xffff  }
0x156: {  	[tilespmem:v13+s13+$0x0] =	vst.idx.add.f32.msk $0xffff, v26  }
0x157: {  	[tilespmem:v27+s13+$0x0] =	vst.idx.add.f32.msk $0xffff, v28  }
0x158: {  	v52 =	vld.idx.msk [tilespmem:v16+s4+$0x0], $0xffff  }
0x159: {  	[tilespmem:v9+s14+$0x0] =	vst.idx.add.f32.msk $0xffff, v15  }
0x15a: {  	[tilespmem:v25+s13+$0x0] =	vst.idx.add.f32.msk $0xffff, v36  }
0x15b: {  	[tilespmem:v13+s14+$0x0] =	vst.idx.add.f32.msk $0xffff, v23  }
0x15c: {  	v32 =	vmul.f32 v32, v7;
	[tilespmem:v27+s14+$0x0] =	vst.idx.add.f32.msk $0xffff, v31  }
0x15d: {  	v41 =	vmul.f32 v20, v6;
	[tilespmem:v25+s14+$0x0] =	vst.idx.add.f32.msk $0xffff, v35  }
0x15e: {  	v43 =	vmul.f32 v24, v5;
	[tilespmem:v14+s13+$0x0] =	vst.idx.add.f32.msk $0xffff, v32  }
0x15f: {  	v56 =	vmul.f32 v22, v2;
	[tilespmem:v30+s13+$0x0] =	vst.idx.add.f32.msk $0xffff, v41  }
0x160: {  	v57 =	vmul.f32 v17, v1;
	[tilespmem:v21+s13+$0x0] =	vst.idx.add.f32.msk $0xffff, v43  }
0x161: {  	v42 =	vmul.f32 v34, v7;
	v44 =	vshll.u32 v20, $0x10;
	[tilespmem:v10+s13+$0x0] =	vst.idx.add.f32.msk $0xffff, v56  }
0x162: {  	v47 =	vshll.u32 v24, $0x10;
	v45 =	vmul.f32 v44, v6;
	[tilespmem:v18+s13+$0x0] =	vst.idx.add.f32.msk $0xffff, v57  }
0x163: {  	v46 =	vshrl.u32 v8, $0xE;
	v48 =	vmul.f32 v47, v5;
	[tilespmem:v14+s14+$0x0] =	vst.idx.add.f32.msk $0xffff, v42  }
0x164: {  	v60 =	vmul.f32 v19, v1;
	v61 =	vshll.u32 v22, $0x10;
	[tilespmem:v30+s14+$0x0] =	vst.idx.add.f32.msk $0xffff, v45  }
0x165: {  	v63 =	vmul.f32 v61, v2;
	[tilespmem:v21+s14+$0x0] =	vst.idx.add.f32.msk $0xffff, v48  }
0x166: {  	v49 =	vmul.f32 v33, v4;
	v50 =	vshll.u32 v33, $0x10;
	[tilespmem:v18+s14+$0x0] =	vst.idx.add.f32.msk $0xffff, v60  }
0x167: {  	s22 =	sadd.s32 $0x1, s22;
	v51 =	vmul.f32 v50, v4;
	[tilespmem:v10+s14+$0x0] =	vst.idx.add.f32.msk $0xffff, v63  }
0x168: {  	p0 =	sne.s32 s22, $0x11;
	[tilespmem:v46+s13+$0x0] =	vst.idx.add.f32.msk $0xffff, v49;
	v54 =	vmul.f32 v29, v3  }
.Ltmp2:
0x169: {  	v53 =	vshll.u32 v29, $0x10;
	v58 =	vmul.f32 v52, v0;
	[tilespmem:v46+s14+$0x0] =	vst.idx.add.f32.msk $0xffff, v51;
	(pc) =	sbr.rel @p0 .LBB2_2-.Ltmp2, $4  }
0x16a: {  	v59 =	vshll.u32 v52, $0x10;
	v55 =	vmul.f32 v53, v3;
	[tilespmem:v12+s13+$0x0] =	vst.idx.add.f32.msk $0xffff, v54  }
0x16b: {  	v62 =	vmul.f32 v59, v0;
	[tilespmem:v11+s13+$0x0] =	vst.idx.add.f32.msk $0xffff, v58  }
0x16c: {  	[tilespmem:v12+s14+$0x0] =	vst.idx.add.f32.msk $0xffff, v55  }
0x16d: {  	[tilespmem:v11+s14+$0x0] =	vst.idx.add.f32.msk $0xffff, v62  }
0x16e: {  	s23 =	simm.s32 $0x4040  }
0x16f: {  	v0 =	vld [tilespmem:s23+$0x30];
	_ =	sdelay $0x2  }
0x170: {  	v1 =	vld [tilespmem:s23+$0xFFFFFFD0]  }
0x171: {  	v2 =	vld [tilespmem:s23+$0xFFFFFFE0]  }
0x172: {  	v3 =	vld [tilespmem:s23+$0xFFFFFFF0];
	v4 =	vmul.f32 $1.442695020e+00, v0  }
0x173: {  	v5 =	vld [tilespmem:s23+$0x0]  }
0x174: {  	v6 =	vld [tilespmem:s23+$0x10];
	(erf) = vpow2.f32 v4;
	_ =	sdelay $0x1  }
0x175: {  	v7 =	vld [tilespmem:s23+$0xFFFFFFC0];
	v4 =	vmul.f32 $1.442695020e+00, v1  }
0x176: {  	v9 =	vld [tilespmem:s23+$0x20];
	v8 =	vmul.f32 $1.442695020e+00, v2;
	v10 =	vmul.f32 $1.442695020e+00, v3  }
0x177: {  	(erf) = vpow2.f32 v4;
	v4 =	vmul.f32 $1.442695020e+00, v5  }
0x178: {  	(erf) = vpow2.f32 v8;
	v8 =	vmul.f32 $1.442695020e+00, v6  }
0x179: {  	(erf) = vpow2.f32 v10  }
0x17a: {  	v10 =	vmul.f32 $1.442695020e+00, v7;
	(erf) = vpow2.f32 v4  }
0x17b: {  	v4 =	vmul.f32 $1.442695020e+00, v9;
	(erf) = vpow2.f32 v8  }
0x17c: {  	(erf) = vpow2.f32 v10;
	v8 =	vpop (erf)  }
0x17d: {  	(erf) = vpow2.f32 v4;
	v4 =	vadd.f32 $-1.000000000e+00, v8;
	_ =	sdelay $0x1  }
0x17e: {  	v4 =	vmul.f32 $1.673263190e+00, v4  }
0x17f: {  	vm2 =	vgt.f32 v0, $0.0e+00;
	v8 =	vpop (erf)  }
0x180: {  	vm0 =	vgt.f32 v1, $0.0e+00;
	v10 =	vpop (erf);
	v8 =	vadd.f32 $-1.000000000e+00, v8;
	v0 =	vsel vm2, v0, v4  }
0x181: {  	vm1 =	vgt.f32 v2, $0.0e+00;
	vm3 =	vgt.f32 v3, $0.0e+00;
	v11 =	vpop (erf);
	v0 =	vmul.f32 $1.050701020e+00, v0  }
0x182: {  	v4 =	vadd.f32 $-1.000000000e+00, v10;
	v10 =	vpop (erf);
	v8 =	vmul.f32 $1.673263190e+00, v8;
	v11 =	vadd.f32 $-1.000000000e+00, v11  }
0x183: {  	s22 =	simm.s32 $0x8040;
	vm4 =	vgt.f32 v7, $0.0e+00;
	vm5 =	vgt.f32 v6, $0.0e+00;
	v12 =	vpop (erf);
	v10 =	vadd.f32 $-1.000000000e+00, v10;
	[tilespmem:s23+$0x30] =	vst v0  }
0x184: {  	v4 =	vmul.f32 $1.673263190e+00, v4;
	v13 =	vpop (erf);
	v0 =	vsel vm0, v1, v8;
	v1 =	vmul.f32 $1.673263190e+00, v11;
	v11 =	vld [tilespmem:s22+$0x30]  }
0x185: {  	vm2 =	vgt.f32 v5, $0.0e+00;
	v12 =	vadd.f32 $-1.000000000e+00, v12;
	v8 =	vadd.f32 $-1.000000000e+00, v13  }
0x186: {  	v2 =	vsel vm1, v2, v4;
	v4 =	vmul.f32 $1.673263190e+00, v10;
	v0 =	vmul.f32 $1.050701020e+00, v0  }
0x187: {  	vm0 =	vgt.f32 v9, $0.0e+00;
	v10 =	vpop (erf);
	v8 =	vmul.f32 $1.673263190e+00, v8;
	v2 =	vmul.f32 $1.050701020e+00, v2  }
0x188: {  	s24 =	simm.s32 $0x40C0;
	v1 =	vsel vm3, v3, v1;
	v3 =	vmul.f32 $1.673263190e+00, v12;
	v10 =	vadd.f32 $-1.000000000e+00, v10;
	[tilespmem:s23+$0xFFFFFFD0] =	vst v0  }
0x189: {  	v17 =	vld [tilespmem:s24+$0x20];
	v7 =	vsel vm4, v7, v8;
	v8 =	vmul.f32 $1.050701020e+00, v1;
	[tilespmem:s23+$0xFFFFFFE0] =	vst v2;
	v2 =	vmul.f32 $1.442695020e+00, v11  }
0x18a: {  	v1 =	vsel vm2, v5, v4;
	v0 =	vld [tilespmem:s22+$0xFFFFFFD0];
	v10 =	vmul.f32 $1.673263190e+00, v10;
	v4 =	vmul.f32 $1.050701020e+00, v7  }
0x18b: {  	v3 =	vsel vm5, v6, v3;
	v5 =	vmul.f32 $1.050701020e+00, v1;
	v1 =	vld [tilespmem:s22+$0xFFFFFFE0];
	[tilespmem:s23+$0xFFFFFFF0] =	vst v8;
	(erf) = vpow2.f32 v2  }
0x18c: {  	v6 =	vmul.f32 $1.050701020e+00, v3;
	v7 =	vsel vm0, v9, v10;
	[tilespmem:s23+$0xFFFFFFC0] =	vst v4;
	v3 =	vld [tilespmem:s22+$0xFFFFFFF0]  }
0x18d: {  	[tilespmem:s23+$0x0] =	vst v5;
	v2 =	vmul.f32 $1.050701020e+00, v7;
	v4 =	vld [tilespmem:s22+$0xFFFFFFC0]  }
0x18e: {  	[tilespmem:s23+$0x10] =	vst v6;
	v5 =	vld [tilespmem:s22+$0x0]  }
0x18f: {  	v9 =	vld [tilespmem:s22+$0x10];
	v6 =	vmul.f32 $1.442695020e+00, v0;
	[tilespmem:s23+$0x20] =	vst v2  }
0x190: {  	v23 =	vmul.f32 $1.442695020e+00, v17;
	v2 =	vmul.f32 $1.442695020e+00, v1;
	v8 =	vld [tilespmem:s22+$0x20]  }
0x191: {  	(erf) = vpow2.f32 v6;
	v6 =	vld [tilespmem:s24+$0x30];
	v7 =	vmul.f32 $1.442695020e+00, v3  }
0x192: {  	(erf) = vpow2.f32 v2;
	v10 =	vmul.f32 $1.442695020e+00, v4  }
0x193: {  	v12 =	vmul.f32 $1.442695020e+00, v5;
	(erf) = vpow2.f32 v7  }
0x194: {  	v2 =	vld [tilespmem:s24+$0xFFFFFFD0];
	v7 =	vmul.f32 $1.442695020e+00, v9;
	(erf) = vpow2.f32 v10;
	v14 =	vpop (erf)  }
0x195: {  	v10 =	vld [tilespmem:s24+$0xFFFFFFE0];
	v13 =	vmul.f32 $1.442695020e+00, v8;
	(erf) = vpow2.f32 v12;
	v14 =	vadd.f32 $-1.000000000e+00, v14  }
0x196: {  	vm7 =	vgt.f32 v11, $0.0e+00;
	v15 =	vmul.f32 $1.442695020e+00, v6;
	(erf) = vpow2.f32 v7  }
0x197: {  	vm0 =	vgt.f32 v0, $0.0e+00;
	v12 =	vld [tilespmem:s24+$0xFFFFFFF0];
	(erf) = vpow2.f32 v13;
	v14 =	vmul.f32 $1.673263190e+00, v14  }
0x198: {  	vm1 =	vgt.f32 v1, $0.0e+00;
	vm2 =	vgt.f32 v3, $0.0e+00;
	v7 =	vld [tilespmem:s24+$0x0];
	(erf) = vpow2.f32 v15  }
0x199: {  	vm6 =	vgt.f32 v4, $0.0e+00;
	vm3 =	vgt.f32 v5, $0.0e+00;
	v16 =	vmul.f32 $1.442695020e+00, v2;
	v13 =	vld [tilespmem:s24+$0x10]  }
0x19a: {  	vm4 =	vgt.f32 v9, $0.0e+00;
	vm10 =	vgt.f32 v2, $0.0e+00;
	v15 =	vld [tilespmem:s24+$0xFFFFFFC0];
	v18 =	vmul.f32 $1.442695020e+00, v10;
	v19 =	vpop (erf)  }
0x19b: {  	(erf) = vpow2.f32 v16;
	vm13 =	vgt.f32 v10, $0.0e+00;
	v11 =	vsel vm7, v11, v14;
	v14 =	vpop (erf)  }
0x19c: {  	v20 =	vmul.f32 $1.442695020e+00, v12;
	vm11 =	vgt.f32 v12, $0.0e+00;
	(erf) = vpow2.f32 v18;
	v53 =	vpop (erf)  }
0x19d: {  	v19 =	vadd.f32 $-1.000000000e+00, v19;
	v52 =	vmul.f32 $1.442695020e+00, v7;
	v11 =	vmul.f32 $1.050701020e+00, v11;
	v22 =	vpop (erf)  }
0x19e: {  	vm9 =	vgt.f32 v7, $0.0e+00;
	v21 =	vmul.f32 $1.442695020e+00, v13;
	(erf) = vpow2.f32 v20;
	v54 =	vpop (erf)  }
0x19f: {  	vm7 =	vgt.f32 v17, $0.0e+00;
	v24 =	vmul.f32 $1.442695020e+00, v15;
	(erf) = vpow2.f32 v52;
	v55 =	vpop (erf)  }
0x1a0: {  	vm12 =	vgt.f32 v13, $0.0e+00;
	v19 =	vmul.f32 $1.673263190e+00, v19;
	(erf) = vpow2.f32 v21;
	v56 =	vpop (erf)  }
0x1a1: {  	v14 =	vadd.f32 $-1.000000000e+00, v14;
	v22 =	vadd.f32 $-1.000000000e+00, v22;
	(erf) = vpow2.f32 v24;
	v57 =	vpop (erf)  }
0x1a2: {  	v18 =	vadd.f32 $-1.000000000e+00, v53;
	(erf) = vpow2.f32 v23;
	v23 =	vadd.f32 $-1.000000000e+00, v57  }
0x1a3: {  	vm8 =	vgt.f32 v15, $0.0e+00;
	v14 =	vmul.f32 $1.673263190e+00, v14;
	v22 =	vmul.f32 $1.673263190e+00, v22  }
0x1a4: {  	v20 =	vadd.f32 $-1.000000000e+00, v54;
	v18 =	vmul.f32 $1.673263190e+00, v18;
	v58 =	vpop (erf);
	v23 =	vmul.f32 $1.673263190e+00, v23  }
0x1a5: {  	v16 =	vadd.f32 $-1.000000000e+00, v55;
	v22 =	vsel vm6, v4, v22;
	vm6 =	vgt.f32 v6, $0.0e+00;
	v4 =	vpop (erf)  }
0x1a6: {  	v24 =	vadd.f32 $-1.000000000e+00, v58;
	v4 =	vadd.f32 $-1.000000000e+00, v4;
	v6 =	vsel vm6, v6, v23  }
0x1a7: {  	v21 =	vadd.f32 $-1.000000000e+00, v56;
	v20 =	vmul.f32 $1.673263190e+00, v20;
	v59 =	vpop (erf);
	v6 =	vmul.f32 $1.050701020e+00, v6  }
0x1a8: {  	v1 =	vsel vm1, v1, v14;
	v24 =	vmul.f32 $1.673263190e+00, v24;
	v25 =	vpop (erf);
	v4 =	vmul.f32 $1.673263190e+00, v4  }
0x1a9: {  	v16 =	vmul.f32 $1.673263190e+00, v16;
	v14 =	vmul.f32 $1.673263190e+00, v21;
	v23 =	vadd.f32 $-1.000000000e+00, v59;
	v60 =	vpop (erf)  }
0x1aa: {  	v2 =	vsel vm10, v2, v24;
	v24 =	vadd.f32 $-1.000000000e+00, v60;
	v4 =	vsel vm13, v10, v4;
	v10 =	vpop (erf)  }
0x1ab: {  	s23 =	simm.s32 $0x80C0;
	v25 =	vadd.f32 $-1.000000000e+00, v25;
	v23 =	vmul.f32 $1.673263190e+00, v23;
	[tilespmem:s24+$0x30] =	vst v6;
	v10 =	vadd.f32 $-1.000000000e+00, v10;
	v6 =	vpop (erf)  }
0x1ac: {  	v2 =	vmul.f32 $1.050701020e+00, v2;
	v61 =	vmul.f32 $1.673263190e+00, v24;
	v62 =	vadd.f32 $-1.000000000e+00, v6;
	v6 =	vld [tilespmem:s23+$0x30]  }
0x1ad: {  	v25 =	vmul.f32 $1.673263190e+00, v25;
	v12 =	vsel vm11, v12, v23;
	v10 =	vmul.f32 $1.673263190e+00, v10  }
0x1ae: {  	[tilespmem:s22+$0x30] =	vst v11;
	v4 =	vmul.f32 $1.050701020e+00, v4;
	v11 =	vsel vm12, v13, v61;
	v13 =	vmul.f32 $1.673263190e+00, v62  }
0x1af: {  	[tilespmem:s24+$0xFFFFFFD0] =	vst v2;
	v7 =	vsel vm9, v7, v25;
	v12 =	vmul.f32 $1.050701020e+00, v12;
	v10 =	vsel vm8, v15, v10  }
0x1b0: {  	v2 =	vld [tilespmem:s23+$0xFFFFFFD0];
	[tilespmem:s24+$0xFFFFFFE0] =	vst v4;
	v15 =	vmul.f32 $1.050701020e+00, v7;
	v7 =	vmul.f32 $1.050701020e+00, v10;
	v10 =	vsel vm7, v17, v13  }
0x1b1: {  	vm5 =	vgt.f32 v8, $0.0e+00;
	v4 =	vld [tilespmem:s23+$0xFFFFFFE0];
	[tilespmem:s24+$0xFFFFFFF0] =	vst v12;
	v12 =	vmul.f32 $1.050701020e+00, v10;
	v10 =	vmul.f32 $1.442695020e+00, v6  }
0x1b2: {  	v3 =	vsel vm2, v3, v18;
	v11 =	vmul.f32 $1.050701020e+00, v11;
	v13 =	vsel vm0, v0, v19;
	v0 =	vld [tilespmem:s23+$0xFFFFFFF0];
	[tilespmem:s24+$0xFFFFFFC0] =	vst v7  }
0x1b3: {  	v9 =	vsel vm4, v9, v16;
	v8 =	vsel vm5, v8, v14;
	[tilespmem:s24+$0x0] =	vst v15;
	v7 =	vld [tilespmem:s23+$0xFFFFFFC0];
	(erf) = vpow2.f32 v10  }
0x1b4: {  	[tilespmem:s24+$0x10] =	vst v11;
	v15 =	vmul.f32 $1.050701020e+00, v1;
	v1 =	vld [tilespmem:s23+$0x0];
	v10 =	vsel vm3, v5, v20;
	v5 =	vmul.f32 $1.050701020e+00, v22  }
0x1b5: {  	vm0 =	vgt.f32 v2, $0.0e+00;
	v14 =	vmul.f32 $1.442695020e+00, v2;
	v11 =	vmul.f32 $1.050701020e+00, v3;
	v3 =	vld [tilespmem:s23+$0x10];
	[tilespmem:s24+$0x20] =	vst v12  }
0x1b6: {  	v13 =	vmul.f32 $1.050701020e+00, v13;
	vm1 =	vgt.f32 v4, $0.0e+00;
	v63 =	vmul.f32 $1.442695020e+00, v4;
	[tilespmem:s22+$0xFFFFFFC0] =	vst v5;
	v5 =	vld [tilespmem:s23+$0x20]  }
0x1b7: {  	[tilespmem:s22+$0xFFFFFFE0] =	vst v15;
	(erf) = vpow2.f32 v14;
	vm2 =	vgt.f32 v0, $0.0e+00;
	v12 =	vmul.f32 $1.442695020e+00, v0  }
0x1b8: {  	s25 =	simm.s32 $0x4140;
	[tilespmem:s22+$0xFFFFFFD0] =	vst v13;
	s24 =	simm.s32 $0x8;
	(erf) = vpow2.f32 v63;
	vm6 =	vgt.f32 v7, $0.0e+00;
	v13 =	vmul.f32 $1.442695020e+00, v7  }
.LBB2_8:
0x1b9: {  	v14 =	vld [tilespmem:s25+$0x30];
	s24 =	sadd.s32 $0x8, s24;
	vm3 =	vgt.f32 v1, $0.0e+00;
	v15 =	vmul.f32 $1.442695020e+00, v1;
	(erf) = vpow2.f32 v12;
	[tilespmem:s22+$0xFFFFFFF0] =	vst v11  }
0x1ba: {  	v11 =	vld [tilespmem:s25+$0xFFFFFFD0];
	p0 =	slt.u32 s24, $0x3F8;
	vm5 =	vgt.f32 v3, $0.0e+00;
	v17 =	vmul.f32 $1.442695020e+00, v3;
	(erf) = vpow2.f32 v13  }
0x1bb: {  	v13 =	vld [tilespmem:s25+$0xFFFFFFE0];
	vm4 =	vgt.f32 v5, $0.0e+00;
	v16 =	vmul.f32 $1.442695020e+00, v5;
	(erf) = vpow2.f32 v15  }
0x1bc: {  	v10 =	vmul.f32 $1.050701020e+00, v10;
	v15 =	vld [tilespmem:s25+$0xFFFFFFF0];
	(erf) = vpow2.f32 v17;
	v12 =	vpop (erf)  }
0x1bd: {  	v9 =	vmul.f32 $1.050701020e+00, v9;
	v17 =	vld [tilespmem:s25+$0x0];
	v12 =	vadd.f32 $-1.000000000e+00, v12;
	(erf) = vpow2.f32 v16  }
0x1be: {  	v8 =	vmul.f32 $1.050701020e+00, v8;
	v16 =	vld [tilespmem:s25+$0x10];
	v21 =	vmul.f32 $1.442695020e+00, v14;
	[tilespmem:s22+$0x0] =	vst v10  }
0x1bf: {  	vm7 =	vgt.f32 v11, $0.0e+00;
	v22 =	vmul.f32 $1.442695020e+00, v11;
	v19 =	vld [tilespmem:s25+$0x20];
	v12 =	vmul.f32 $1.673263190e+00, v12;
	[tilespmem:s22+$0x10] =	vst v9  }
0x1c0: {  	vm8 =	vgt.f32 v6, $0.0e+00;
	v9 =	vld [tilespmem:s25+$0xFFFFFFC0];
	v23 =	vmul.f32 $1.442695020e+00, v13;
	(erf) = vpow2.f32 v21;
	v18 =	vpop (erf);
	[tilespmem:s22+$0x20] =	vst v8;
	s22 =	smov.u32 s23  }
0x1c1: {  	v8 =	vmul.f32 $1.442695020e+00, v15;
	(erf) = vpow2.f32 v22;
	v6 =	vsel vm8, v6, v12;
	v10 =	vpop (erf)  }
0x1c2: {  	vm12 =	vgt.f32 v13, $0.0e+00;
	v25 =	vmul.f32 $1.442695020e+00, v17;
	v24 =	vmul.f32 $1.050701020e+00, v6;
	v21 =	vpop (erf)  }
0x1c3: {  	vm11 =	vgt.f32 v15, $0.0e+00;
	v26 =	vmul.f32 $1.442695020e+00, v16;
	(erf) = vpow2.f32 v23;
	v20 =	vpop (erf)  }
0x1c4: {  	vm10 =	vgt.f32 v17, $0.0e+00;
	v23 =	vmul.f32 $1.442695020e+00, v19;
	(erf) = vpow2.f32 v8;
	[tilespmem:s23+$0x30] =	vst v24;
	v6 =	vpop (erf)  }
0x1c5: {  	vm9 =	vgt.f32 v9, $0.0e+00;
	v8 =	vmul.f32 $1.442695020e+00, v9;
	(erf) = vpow2.f32 v25;
	v12 =	vpop (erf)  }
0x1c6: {  	vm13 =	vgt.f32 v16, $0.0e+00;
	vm8 =	vgt.f32 v19, $0.0e+00;
	(erf) = vpow2.f32 v26;
	v22 =	vpop (erf)  }
0x1c7: {  	v18 =	vadd.f32 $-1.000000000e+00, v18;
	(erf) = vpow2.f32 v8;
	v8 =	vadd.f32 $-1.000000000e+00, v20  }
0x1c8: {  	v10 =	vadd.f32 $-1.000000000e+00, v10;
	v20 =	vadd.f32 $-1.000000000e+00, v21;
	(erf) = vpow2.f32 v23  }
0x1c9: {  	v6 =	vadd.f32 $-1.000000000e+00, v6;
	v12 =	vadd.f32 $-1.000000000e+00, v12;
	v21 =	vpop (erf);
	v8 =	vmul.f32 $1.673263190e+00, v8  }
0x1ca: {  	v18 =	vmul.f32 $1.673263190e+00, v18;
	v22 =	vadd.f32 $-1.000000000e+00, v22;
	v21 =	vadd.f32 $-1.000000000e+00, v21;
	v23 =	vpop (erf)  }
0x1cb: {  	v10 =	vmul.f32 $1.673263190e+00, v10;
	v20 =	vmul.f32 $1.673263190e+00, v20;
	v26 =	vadd.f32 $-1.000000000e+00, v23  }
0x1cc: {  	v25 =	vmul.f32 $1.673263190e+00, v6;
	v8 =	vsel vm6, v7, v8;
	v27 =	vmul.f32 $1.673263190e+00, v21;
	v24 =	vpop (erf)  }
0x1cd: {  	vm6 =	vgt.f32 v14, $0.0e+00;
	v6 =	vmul.f32 $1.673263190e+00, v26;
	v7 =	vadd.f32 $-1.000000000e+00, v24;
	v23 =	vpop (erf)  }
0x1ce: {  	v12 =	vmul.f32 $1.673263190e+00, v12;
	v23 =	vadd.f32 $-1.000000000e+00, v23;
	v14 =	vsel vm6, v14, v27;
	v21 =	vpop (erf)  }
0x1cf: {  	v7 =	vmul.f32 $1.673263190e+00, v7;
	v21 =	vadd.f32 $-1.000000000e+00, v21;
	v26 =	vmul.f32 $1.050701020e+00, v14;
	v24 =	vpop (erf)  }
0x1d0: {  	v11 =	vsel vm7, v11, v6;
	v6 =	vmul.f32 $1.673263190e+00, v23;
	v23 =	vadd.f32 $-1.000000000e+00, v24;
	v24 =	vpop (erf)  }
0x1d1: {  	s23 =	sadd.s32 $0x80, s23;
	v24 =	vadd.f32 $-1.000000000e+00, v24;
	v7 =	vsel vm12, v13, v7;
	v13 =	vmul.f32 $1.673263190e+00, v21;
	[tilespmem:s25+$0x30] =	vst v26;
	v14 =	vpop (erf)  }
0x1d2: {  	v15 =	vsel vm11, v15, v6;
	v21 =	vmul.f32 $1.673263190e+00, v23;
	v14 =	vadd.f32 $-1.000000000e+00, v14;
	v6 =	vld [tilespmem:s23+$0x30]  }
0x1d3: {  	v11 =	vmul.f32 $1.050701020e+00, v11;
	v23 =	vmul.f32 $1.673263190e+00, v24;
	v13 =	vsel vm10, v17, v13  }
0x1d4: {  	v7 =	vmul.f32 $1.050701020e+00, v7;
	v16 =	vsel vm13, v16, v21;
	v14 =	vmul.f32 $1.673263190e+00, v14  }
0x1d5: {  	v13 =	vmul.f32 $1.050701020e+00, v13;
	v9 =	vsel vm9, v9, v23;
	[tilespmem:s25+$0xFFFFFFD0] =	vst v11;
	v11 =	vmul.f32 $1.050701020e+00, v15  }
0x1d6: {  	v16 =	vmul.f32 $1.050701020e+00, v16;
	v9 =	vmul.f32 $1.050701020e+00, v9;
	v15 =	vld [tilespmem:s23+$0xFFFFFFD0];
	[tilespmem:s25+$0xFFFFFFE0] =	vst v7;
	v7 =	vsel vm8, v19, v14  }
0x1d7: {  	v2 =	vsel vm0, v2, v18;
	v14 =	vld [tilespmem:s23+$0xFFFFFFE0];
	[tilespmem:s25+$0xFFFFFFF0] =	vst v11;
	v11 =	vmul.f32 $1.050701020e+00, v7;
	v17 =	vmul.f32 $1.442695020e+00, v6  }
0x1d8: {  	v4 =	vsel vm1, v4, v10;
	v18 =	vsel vm2, v0, v20;
	v19 =	vmul.f32 $1.673263190e+00, v22;
	[tilespmem:s25+$0xFFFFFFC0] =	vst v9;
	v0 =	vld [tilespmem:s23+$0xFFFFFFF0]  }
0x1d9: {  	v10 =	vsel vm3, v1, v25;
	v9 =	vsel vm5, v3, v12;
	v7 =	vld [tilespmem:s23+$0xFFFFFFC0];
	[tilespmem:s25+$0x0] =	vst v13;
	(erf) = vpow2.f32 v17  }
.Ltmp3:
0x1da: {  	v12 =	vmul.f32 $1.050701020e+00, v8;
	v8 =	vsel vm4, v5, v19;
	v13 =	vmul.f32 $1.050701020e+00, v2;
	v1 =	vld [tilespmem:s23+$0x0];
	[tilespmem:s25+$0x10] =	vst v16;
	(pc) =	sbr.rel @p0 .LBB2_8-.Ltmp3, $4  }
0x1db: {  	v17 =	vmul.f32 $1.050701020e+00, v4;
	vm0 =	vgt.f32 v15, $0.0e+00;
	v16 =	vmul.f32 $1.442695020e+00, v15;
	v3 =	vld [tilespmem:s23+$0x10];
	[tilespmem:s25+$0x20] =	vst v11;
	v2 =	vmovc v15  }
0x1dc: {  	v11 =	vmul.f32 $1.050701020e+00, v18;
	vm1 =	vgt.f32 v14, $0.0e+00;
	v15 =	vmul.f32 $1.442695020e+00, v14;
	v5 =	vld [tilespmem:s23+$0x20];
	[tilespmem:s22+$0xFFFFFFC0] =	vst v12;
	v4 =	vmovc v14  }
0x1dd: {  	vm2 =	vgt.f32 v0, $0.0e+00;
	v12 =	vmul.f32 $1.442695020e+00, v0;
	(erf) = vpow2.f32 v16;
	[tilespmem:s22+$0xFFFFFFD0] =	vst v13  }
0x1de: {  	s25 =	sadd.s32 $0x80, s25;
	vm6 =	vgt.f32 v7, $0.0e+00;
	v13 =	vmul.f32 $1.442695020e+00, v7;
	(erf) = vpow2.f32 v15;
	[tilespmem:s22+$0xFFFFFFE0] =	vst v17  }
0x1df: {  	_ =	sdelay $0x2  }
0x1e0: {  	(erf) = vpow2.f32 v12  }
0x1e1: {  	v47 =	vmul.f32 $1.442695020e+00, v1;
	(erf) = vpow2.f32 v13  }
0x1e2: {  	v48 =	vmul.f32 $1.442695020e+00, v3  }
0x1e3: {  	v15 =	vmul.f32 $1.442695020e+00, v5;
	v14 =	vpop (erf);
	(erf) = vpow2.f32 v47  }
0x1e4: {  	v49 =	vpop (erf);
	(erf) = vpow2.f32 v48  }
0x1e5: {  	v50 =	vpop (erf);
	(erf) = vpow2.f32 v15;
	_ =	sdelay $0x1  }
0x1e6: {  	vm3 =	vgt.f32 v6, $0.0e+00;
	vm4 =	vgt.f32 v1, $0.0e+00;
	v14 =	vadd.f32 $-1.000000000e+00, v14  }
0x1e7: {  	v10 =	vmul.f32 $1.050701020e+00, v10;
	v9 =	vmul.f32 $1.050701020e+00, v9;
	v12 =	vadd.f32 $-1.000000000e+00, v49  }
0x1e8: {  	v8 =	vmul.f32 $1.050701020e+00, v8;
	v14 =	vmul.f32 $1.673263190e+00, v14;
	v51 =	vpop (erf);
	v13 =	vadd.f32 $-1.000000000e+00, v50  }
0x1e9: {  	vm14 =	vgt.f32 v3, $0.0e+00;
	v16 =	vpop (erf);
	v15 =	vadd.f32 $-1.000000000e+00, v51;
	v12 =	vmul.f32 $1.673263190e+00, v12  }
0x1ea: {  	[tilespmem:s22+$0xFFFFFFF0] =	vst v11;
	v6 =	vsel vm3, v6, v14;
	v16 =	vadd.f32 $-1.000000000e+00, v16;
	v56 =	vmul.f32 $1.673263190e+00, v13  }
0x1eb: {  	[tilespmem:s22+$0x0] =	vst v10;
	v6 =	vmul.f32 $1.050701020e+00, v6;
	v52 =	vpop (erf);
	v57 =	vmul.f32 $1.673263190e+00, v15;
	v2 =	vsel vm0, v2, v12  }
0x1ec: {  	[tilespmem:s22+$0x10] =	vst v9;
	v16 =	vmul.f32 $1.673263190e+00, v16;
	v14 =	vadd.f32 $-1.000000000e+00, v52;
	v4 =	vsel vm1, v4, v56;
	v53 =	vpop (erf)  }
0x1ed: {  	[tilespmem:s22+$0x20] =	vst v8;
	v2 =	vmul.f32 $1.050701020e+00, v2;
	v0 =	vsel vm2, v0, v57;
	v54 =	vpop (erf);
	v55 =	vadd.f32 $-1.000000000e+00, v53  }
0x1ee: {  	[tilespmem:s23+$0x30] =	vst v6;
	v4 =	vmul.f32 $1.050701020e+00, v4;
	v58 =	vmul.f32 $1.673263190e+00, v14;
	v10 =	vadd.f32 $-1.000000000e+00, v54  }
0x1ef: {  	v7 =	vsel vm6, v7, v16;
	v0 =	vmul.f32 $1.050701020e+00, v0;
	[tilespmem:s23+$0xFFFFFFD0] =	vst v2;
	v9 =	vmul.f32 $1.673263190e+00, v55  }
0x1f0: {  	v7 =	vmul.f32 $1.050701020e+00, v7;
	[tilespmem:s23+$0xFFFFFFE0] =	vst v4;
	v1 =	vsel vm4, v1, v58;
	v59 =	vmul.f32 $1.673263190e+00, v10  }
0x1f1: {  	vm15 =	vgt.f32 v5, $0.0e+00;
	[tilespmem:s23+$0xFFFFFFF0] =	vst v0;
	v1 =	vmul.f32 $1.050701020e+00, v1;
	v60 =	vsel vm14, v3, v9  }
0x1f2: {  	[tilespmem:s23+$0xFFFFFFC0] =	vst v7;
	v61 =	vsel vm15, v5, v59;
	v62 =	vmul.f32 $1.050701020e+00, v60  }
0x1f3: {  	[tilespmem:s23+$0x0] =	vst v1;
	v63 =	vmul.f32 $1.050701020e+00, v61  }
0x1f4: {  	[tilespmem:s23+$0x10] =	vst v62  }
0x1f5: {  	[tilespmem:s23+$0x20] =	vst v63  }
0x1f6: {  	[hbm4b:s6+s11] =	stream.strided.scatter [tilespmem:s13], [sflag:$0x4], $0x4000, s12, s11, $0x38;
	[tilespmem:$0x14000] =	vst v63  }
0x1f7: {  	s21 =	sadd.s32 $0x1, s21;
	_ =	swait.ge [sflag:s20], $0x4000  }
0x1f8: {  	p0 =	sne.s32 s21, s10;
	[sflag:s20] =	ssyncset.done $0x0  }
.Ltmp4:
0x1f9: {  	[sflag:s20] =	ssyncadd.s32 $0xFFFFC000;
	(pc) =	sbr.rel @p0 .LBB2_1-.Ltmp4, $4  }
0x1fa: {  	[hbm4b:s9+s11] =	stream.strided.scatter [tilespmem:s14], [sflag:$0x4], $0x4000, s12, s11, $0x38;
	[tilespmem:$0x14000] =	vst v63  }
0x1fb: {  	_ =	swait.ge [sflag:s20], $0x4000  }
0x1fc: {  	[sflag:s20] =	ssyncset.done $0x0  }
0x1fd: {  	[sflag:s20] =	ssyncadd.s32 $0xFFFFC000  }
0x1fe: {  	_ =	sfence.sel $0x180000  }
0x1ff: {  	[bflag:$0x0] =	sbarrier.arrive $0xFFFF  }
0x200: {  	p0 =	sne.s32 s3, $0x0;
	_ =	strace $0x90000047  }
0x201: {  	s0 =	sadd.s32 @!p0 $0x100000, s0;
	[bflag:$0x2] =	sbarrier.arrive $0xFFFF  }
0x202: {  	[sflag:s0] =	ssyncadd.tile.s32 @!p0 $0x1;
	_ =	shalt  }
.Lfunc_end2:
_tile_overlayer_lowered:
.L_overlay_start_2:
0x203: {  	(tag) =	ssettag $0x2  }
0x204: {  	s0 =	rddreg [dreg:$0x0];
	s2 =	stileid.u32  }
0x205: {  	s1 =	rddreg [dreg:$0x1];
	p0 =	sne.s32 s2, $0x0  }
0x206: {  	s3 =	rddreg [dreg:$0x2];
	[bflag:$0x3] =	sbarrier.arrive $0xFFFF;
	s2 =	simm.s32 @!p0 $0x1C04  }
0x207: {  	[timem:s3], [sflag:s2] =	dma.local @!p0 [hbm:s0], s1  }
0x208: {  	s0 =	simm.s32 @!p0 $0x4  }
0x209: {  	_ =	swait.ge @!p0 [sflag:s0], s1  }
0x20a: {  	s1 =	ssub.s32 @!p0 $0x0, s1;
	[sflag:s0] =	ssyncset.done @!p0 $0x0  }
0x20b: {  	[sflag:s0] =	ssyncadd.s32 @!p0 s1  }
0x20c: {  	[bflag:$0x3] =	sbarrier.arrive $0xFFFF  }
0x20d: {  	_ =	shalt  }

</sc_bundles>
